<compile_context>
chip_gen: v7x
topology: tpu7x:2x2x1
jax: 0.10.2.dev20260603
libtpu: 0.0.44.dev20260713+nightly
codegen_flags: <defaults>
</compile_context>

<pallas_src>
import functools

import jax
import jax.numpy as jnp
from jax.experimental import pallas as pl
from jax.experimental.pallas import tpu as pltpu
from jax.experimental.pallas import tpu_sc as plsc

_NC = 2
_NS = 16
_LANES = 16

_SC_BATCHES = 32
_ROWS = 16
_RG = 4
_BG = 8


def _sc_body(p_hbm, t_hbm, o_hbm, *, batch0):
    P, D = t_hbm.shape
    n_tiles = _NC * _NS
    n_row_blocks = P // _ROWS
    rpg = n_row_blocks // _RG
    bpg = _SC_BATCHES // _BG

    def block_body(p_v, t_v, o_v):
        @pl.loop(0, _ROWS)
        def _row(r):
            @pl.loop(0, D, step=_LANES, unroll=8)
            def _col(c):
                o_v[0, r, pl.ds(c, _LANES)] = (
                    p_v[0, r, pl.ds(c, _LANES)] + t_v[r, pl.ds(c, _LANES)]
                )

    pltpu.emit_pipeline(
        block_body,
        grid=(n_tiles, rpg, bpg),
        in_specs=[
            pl.BlockSpec(
                (1, _ROWS, D),
                lambda g, i, j: (batch0 + (g % _BG) * bpg + j, (g // _BG) * rpg + i, 0),
            ),
            pl.BlockSpec((_ROWS, D), lambda g, i, j: ((g // _BG) * rpg + i, 0)),
        ],
        out_specs=[
            pl.BlockSpec(
                (1, _ROWS, D),
                lambda g, i, j: ((g % _BG) * bpg + j, (g // _BG) * rpg + i, 0),
            )
        ],
        core_axis_name=("c", "s"),
        dimension_semantics=(pltpu.PARALLEL, pltpu.ARBITRARY, pltpu.ARBITRARY),
    )(p_hbm, t_hbm, o_hbm)


def _tc_add(p_ref, t_ref, o_ref):
    o_ref[...] = p_ref[...] + t_ref[...]


def kernel(patches, pos_table):
    B, P, D = patches.shape
    b_tc = B - _SC_BATCHES
    bb = 8
    out_full = pl.pallas_call(
        _tc_add,
        grid=(b_tc // bb,),
        in_specs=[
            pl.BlockSpec((bb, P, D), lambda b: (b, 0, 0)),
            pl.BlockSpec((P, D), lambda b: (0, 0)),
        ],
        out_specs=pl.BlockSpec((bb, P, D), lambda b: (b, 0, 0)),
        out_shape=jax.ShapeDtypeStruct((B, P, D), patches.dtype),
        compiler_params=pltpu.CompilerParams(vmem_limit_bytes=64 * 1024 * 1024),
    )(patches, pos_table)

    mesh = plsc.VectorSubcoreMesh(core_axis_name="c", subcore_axis_name="s")
    sc_add = pl.kernel(
        functools.partial(_sc_body, batch0=b_tc),
        out_type=jax.ShapeDtypeStruct((_SC_BATCHES, P, D), patches.dtype),
        mesh=mesh,
    )
    out_sc = sc_add(patches, pos_table)
    return jax.lax.dynamic_update_slice(out_full, out_sc, (b_tc, 0, 0))

# --- scband reference (transcript-rebuilt; emitter-appended) ---
"""Pipeline reference for scband-embed-patch-27805618274640 (READ-ONLY COPY).

The authoritative reference and input builder live on the scoring server;
editing this copy changes nothing except your own understanding.
"""

import jax, jax.numpy as jnp
import numpy as np

NUM_PATCHES = 576
PROJECTION_DIM = 768
BATCH = 128


def setup_inputs(seed: int = 0) -> dict:
    key = jax.random.key(seed)
    k1, k2 = jax.random.split(key)
    patches = jax.random.normal(k1, (BATCH, NUM_PATCHES, PROJECTION_DIM), dtype=jnp.float32)
    # Keras Embedding default init: uniform(-0.05, 0.05)
    pos_table = jax.random.uniform(k2, (NUM_PATCHES, PROJECTION_DIM), dtype=jnp.float32, minval=-0.05, maxval=0.05)
    return {"patches": patches, "pos_table": pos_table}


def reference(patches, pos_table):
    positions = jnp.arange(0, NUM_PATCHES, 1)
    pos_emb = jnp.take(pos_table, positions, axis=0)  # embedding lookup
    return patches + pos_emb[None, :, :]

if __name__ == "__main__":
    import jax
    _d = setup_inputs()
    print(jax.jit(kernel)(*tuple(_d.values())))

</pallas_src>

<mosaic_0001>
#map = affine_map<(d0, d1) -> (0, 0, 0)>
#map1 = affine_map<(d0, d1) -> (0, 0)>
module attributes {stable_mosaic.version = 14 : i64} {
  func.func @_sc_body(%arg0: i32, %arg1: i32, %arg2: memref<128x576x768xf32, #tpu.memory_space<hbm>>, %arg3: memref<576x768xf32, #tpu.memory_space<hbm>>, %arg4: memref<32x576x768xf32, #tpu.memory_space<hbm>>) attributes {dimension_semantics = [#tpu.dimension_semantics<core_parallel>, #tpu.dimension_semantics<subcore_parallel>], iteration_bounds = array<i64: 2, 16>, scalar_prefetch = 0 : i64, scratch_operands = 0 : i64, tpu.core_type = #tpu.core_type<sc_vector_subcore>, window_params = [{transform_indices = #map}, {transform_indices = #map1}, {transform_indices = #map}]} {
    %mul3A = arith.constant 1 : i32
    %mul3A_0 = arith.muli %arg1, %mul3A : i32
    %add3A = arith.constant 0 : i32
    %add3A_1 = arith.addi %add3A, %mul3A_0 : i32
    %mul3A_2 = arith.constant 16 : i32
    %mul3A_3 = arith.muli %arg0, %mul3A_2 : i32
    %add3A_4 = arith.addi %add3A_1, %mul3A_3 : i32
    %mul3A_5 = arith.constant 1 : i32
    %mul3A_6 = arith.muli %add3A_4, %mul3A_5 : i32
    "tpu.region"() ({
      %run_scoped3A = memref.alloca() : memref<2x1x16x768xf32, #tpu.memory_space<vmem>>
      %run_scoped3A_7 = tpu.sem_alloc : memref<2x!tpu.dma_semaphore, #tpu.memory_space<semaphore_mem>>
      %run_scoped3A_8 = memref.alloca() : memref<2x16x768xf32, #tpu.memory_space<vmem>>
      %run_scoped3A_9 = tpu.sem_alloc : memref<2x!tpu.dma_semaphore, #tpu.memory_space<semaphore_mem>>
      %run_scoped3A_10 = memref.alloca() : memref<2x1x16x768xf32, #tpu.memory_space<vmem>>
      %run_scoped3A_11 = tpu.sem_alloc : memref<2x!tpu.dma_semaphore, #tpu.memory_space<semaphore_mem>>
      %add3A_12 = arith.constant 0 : i32
      %add3A_13 = arith.addi %add3A_12, %mul3A_6 : i32
      %select_n3A = arith.constant true
      %select_n3A_14 = arith.constant 0 : i32
      %select_n3A_15 = arith.constant -1 : i32
      %select_n3A_16 = arith.select %select_n3A, %select_n3A_15, %select_n3A_14 : i32
      %eq3A = arith.constant -1 : i32
      %eq3A_17 = arith.cmpi eq, %select_n3A_16, %eq3A : i32
      %select_n3A_18 = arith.constant 3 : i32
      %select_n3A_19 = arith.select %eq3A_17, %select_n3A_18, %select_n3A_16 : i32
      %select_n3A_20 = arith.constant 0 : i32
      %select_n3A_21 = arith.constant -1 : i32
      %select_n3A_22 = arith.select %eq3A_17, %select_n3A_21, %select_n3A_20 : i32
      %eq3A_23 = arith.constant -1 : i32
      %eq3A_24 = arith.cmpi eq, %select_n3A_22, %eq3A_23 : i32
      %select_n3A_25 = arith.constant 8 : i32
      %select_n3A_26 = arith.select %eq3A_24, %select_n3A_25, %select_n3A_22 : i32
      %select_n3A_27 = arith.constant 0 : i32
      %select_n3A_28 = arith.constant -1 : i32
      %select_n3A_29 = arith.select %eq3A_24, %select_n3A_28, %select_n3A_27 : i32
      %eq3A_30 = arith.constant -1 : i32
      %eq3A_31 = arith.cmpi eq, %select_n3A_29, %eq3A_30 : i32
      %select_n3A_32 = arith.constant 0 : i32
      %select_n3A_33 = arith.select %eq3A_31, %select_n3A_32, %select_n3A_29 : i32
      %add3A_34 = arith.constant 0 : i32
      %add3A_35 = arith.addi %add3A_34, %mul3A_6 : i32
      %add3A_36 = arith.constant 0 : i32
      %add3A_37 = arith.addi %select_n3A_26, %add3A_36 : i32
      %add3A_38 = arith.constant 0 : i32
      %add3A_39 = arith.addi %select_n3A_19, %add3A_38 : i32
      %select_n3A_40 = arith.constant true
      %select_n3A_41 = arith.constant 0 : i32
      %select_n3A_42 = arith.constant 1 : i32
      %select_n3A_43 = arith.select %select_n3A_40, %select_n3A_42, %select_n3A_41 : i32
      %eq3A_44 = arith.constant 4 : i32
      %eq3A_45 = arith.cmpi eq, %select_n3A_43, %eq3A_44 : i32
      %select_n3A_46 = arith.constant 0 : i32
      %select_n3A_47 = arith.select %eq3A_45, %select_n3A_46, %select_n3A_43 : i32
      %select_n3A_48 = arith.constant 0 : i32
      %select_n3A_49 = arith.constant 1 : i32
      %select_n3A_50 = arith.select %eq3A_45, %select_n3A_49, %select_n3A_48 : i32
      %eq3A_51 = arith.constant 9 : i32
      %eq3A_52 = arith.cmpi eq, %select_n3A_50, %eq3A_51 : i32
      %select_n3A_53 = arith.constant 0 : i32
      %select_n3A_54 = arith.select %eq3A_52, %select_n3A_53, %select_n3A_50 : i32
      %select_n3A_55 = arith.constant 0 : i32
      %select_n3A_56 = arith.constant 1 : i32
      %select_n3A_57 = arith.select %eq3A_52, %select_n3A_56, %select_n3A_55 : i32
      %eq3A_58 = arith.constant 1 : i32
      %eq3A_59 = arith.cmpi eq, %select_n3A_57, %eq3A_58 : i32
      %select_n3A_60 = arith.constant 0 : i32
      %select_n3A_61 = arith.select %eq3A_59, %select_n3A_60, %select_n3A_57 : i32
      %add3A_62 = arith.constant 0 : i32
      %add3A_63 = arith.addi %add3A_62, %mul3A_6 : i32
      %add3A_64 = arith.constant 0 : i32
      %add3A_65 = arith.addi %select_n3A_54, %add3A_64 : i32
      %add3A_66 = arith.constant 0 : i32
      %add3A_67 = arith.addi %select_n3A_47, %add3A_66 : i32
      %add3A_68 = arith.constant 1 : i32
      %add3A_69 = arith.addi %select_n3A_47, %add3A_68 : i32
      %select_n3A_70 = arith.constant true
      %select_n3A_71 = arith.select %select_n3A_70, %add3A_69, %select_n3A_47 : i32
      %eq3A_72 = arith.constant 4 : i32
      %eq3A_73 = arith.cmpi eq, %select_n3A_71, %eq3A_72 : i32
      %select_n3A_74 = arith.constant 0 : i32
      %select_n3A_75 = arith.select %eq3A_73, %select_n3A_74, %select_n3A_71 : i32
      %add3A_76 = arith.constant 1 : i32
      %add3A_77 = arith.addi %select_n3A_54, %add3A_76 : i32
      %select_n3A_78 = arith.select %eq3A_73, %add3A_77, %select_n3A_54 : i32
      %eq3A_79 = arith.constant 9 : i32
      %eq3A_80 = arith.cmpi eq, %select_n3A_78, %eq3A_79 : i32
      %select_n3A_81 = arith.constant 0 : i32
      %select_n3A_82 = arith.select %eq3A_80, %select_n3A_81, %select_n3A_78 : i32
      %select_n3A_83 = arith.constant 0 : i32
      %select_n3A_84 = arith.constant 1 : i32
      %select_n3A_85 = arith.select %eq3A_80, %select_n3A_84, %select_n3A_83 : i32
      %eq3A_86 = arith.constant 1 : i32
      %eq3A_87 = arith.cmpi eq, %select_n3A_85, %eq3A_86 : i32
      %select_n3A_88 = arith.constant 0 : i32
      %select_n3A_89 = arith.select %eq3A_87, %select_n3A_88, %select_n3A_85 : i32
      %add3A_90 = arith.constant 0 : i32
      %add3A_91 = arith.addi %add3A_90, %mul3A_6 : i32
      %add3A_92 = arith.constant 0 : i32
      %add3A_93 = arith.addi %select_n3A_82, %add3A_92 : i32
      %add3A_94 = arith.constant 0 : i32
      %add3A_95 = arith.addi %select_n3A_75, %add3A_94 : i32
      "tpu.trace_start"() <{level = 10 : i32, message = "ep_initialize_0"}> : () -> ()
      %rem3A = arith.constant 0 : i32
      %rem3A_96 = arith.constant 2 : i32
      %rem3A_97 = arith.remui %rem3A, %rem3A_96 : i32
      %jit3A = arith.constant 8 : i32
      %eq3A_98 = arith.constant 0 : i32
      %eq3A_99 = arith.cmpi eq, %jit3A, %eq3A_98 : i32
      %jit3A_100 = arith.constant 1 : i32
      %select_n3A_101 = arith.select %eq3A_99, %jit3A_100, %jit3A : i32
      %rem3A_102 = arith.remsi %add3A_13, %select_n3A_101 : i32
      %ne3A = arith.constant 0 : i32
      %ne3A_103 = arith.cmpi ne, %rem3A_102, %ne3A : i32
      %lt3A = arith.constant 0 : i32
      %lt3A_104 = arith.cmpi slt, %rem3A_102, %lt3A : i32
      %lt3A_105 = arith.constant 0 : i32
      %lt3A_106 = arith.cmpi slt, %select_n3A_101, %lt3A_105 : i32
      %ne3A_107 = arith.xori %lt3A_104, %lt3A_106 : i1
      %and3A = arith.andi %ne3A_107, %ne3A_103 : i1
      %add3A_108 = arith.addi %rem3A_102, %select_n3A_101 : i32
      %select_n3A_109 = arith.select %and3A, %add3A_108, %rem3A_102 : i32
      %mul3A_110 = arith.constant 4 : i32
      %mul3A_111 = arith.muli %select_n3A_109, %mul3A_110 : i32
      %add3A_112 = arith.constant 96 : i32
      %add3A_113 = arith.addi %add3A_112, %mul3A_111 : i32
      %add3A_114 = arith.constant 0 : i32
      %add3A_115 = arith.addi %add3A_113, %add3A_114 : i32
      %jit3A_116 = arith.constant 8 : i32
      %div3A = arith.divsi %add3A_13, %jit3A_116 : i32
      %sign3A = arith.constant 0 : i32
      %sign3A_117 = arith.cmpi sgt, %add3A_13, %sign3A : i32
      %sign3A_118 = arith.extui %sign3A_117 : i1 to i32
      %sign3A_119 = arith.constant 0 : i32
      %sign3A_120 = arith.cmpi slt, %add3A_13, %sign3A_119 : i32
      %sign3A_121 = arith.extui %sign3A_120 : i1 to i32
      %sign3A_122 = arith.subi %sign3A_118, %sign3A_121 : i32
      %sign3A_123 = arith.constant 0 : i32
      %sign3A_124 = arith.cmpi sgt, %jit3A_116, %sign3A_123 : i32
      %sign3A_125 = arith.extui %sign3A_124 : i1 to i32
      %sign3A_126 = arith.constant 0 : i32
      %sign3A_127 = arith.cmpi slt, %jit3A_116, %sign3A_126 : i32
      %sign3A_128 = arith.extui %sign3A_127 : i1 to i32
      %sign3A_129 = arith.subi %sign3A_125, %sign3A_128 : i32
      %ne3A_130 = arith.cmpi ne, %sign3A_122, %sign3A_129 : i32
      %rem3A_131 = arith.remsi %add3A_13, %jit3A_116 : i32
      %ne3A_132 = arith.constant 0 : i32
      %ne3A_133 = arith.cmpi ne, %rem3A_131, %ne3A_132 : i32
      %and3A_134 = arith.andi %ne3A_130, %ne3A_133 : i1
      %sub3A = arith.constant 1 : i32
      %sub3A_135 = arith.subi %div3A, %sub3A : i32
      %select_n3A_136 = arith.select %and3A_134, %sub3A_135, %div3A : i32
      %mul3A_137 = arith.constant 9 : i32
      %mul3A_138 = arith.muli %select_n3A_136, %mul3A_137 : i32
      %add3A_139 = arith.constant 0 : i32
      %add3A_140 = arith.addi %mul3A_138, %add3A_139 : i32
      %mul3A_141 = arith.constant 1 : i32
      %mul3A_142 = arith.muli %mul3A_141, %add3A_115 : i32
      %mul3A_143 = arith.constant 16 : i32
      %mul3A_144 = arith.muli %mul3A_143, %add3A_140 : i32
      %dma_start3A = arith.constant 0 : i32
      %dma_start3A_145 = arith.constant 0 : i32
      %dma_start3A_146 = arith.constant 0 : i32
      %dma_start3A_147 = tpu.memref_slice %run_scoped3A[%rem3A_97, %dma_start3A, %dma_start3A_145, %dma_start3A_146] : memref<2x1x16x768xf32, #tpu.memory_space<vmem>> -> memref<1x1x16x768xf32, #tpu.memory_space<vmem>>
      %dma_start3A_148 = tpu.memref_squeeze %dma_start3A_147 : memref<1x1x16x768xf32, #tpu.memory_space<vmem>> -> memref<1x16x768xf32, #tpu.memory_space<vmem>>
      %dma_start3A_149 = arith.constant 0 : i32
      %dma_start3A_150 = tpu.memref_slice %arg2[%mul3A_142, %mul3A_144, %dma_start3A_149] : memref<128x576x768xf32, #tpu.memory_space<hbm>> -> memref<1x16x768xf32, #tpu.memory_space<hbm>>
      %dma_start3A_151 = tpu.memref_slice %run_scoped3A_7[%rem3A_97] : memref<2x!tpu.dma_semaphore, #tpu.memory_space<semaphore_mem>> -> memref<1x!tpu.dma_semaphore, #tpu.memory_space<semaphore_mem>>
      %dma_start3A_152 = tpu.memref_squeeze %dma_start3A_151 : memref<1x!tpu.dma_semaphore, #tpu.memory_space<semaphore_mem>> -> memref<!tpu.dma_semaphore, #tpu.memory_space<semaphore_mem>>
      %dma_start3A_153 = arith.constant 0 : i32
      %dma_start3A_154 = arith.constant 0 : i32
      %dma_start3A_155 = arith.constant 0 : i32
      %dma_start3A_156 = tpu.memref_slice %run_scoped3A[%rem3A_97, %dma_start3A_153, %dma_start3A_154, %dma_start3A_155] : memref<2x1x16x768xf32, #tpu.memory_space<vmem>> -> memref<1x1x16x768xf32, #tpu.memory_space<vmem>>
      %dma_start3A_157 = tpu.memref_squeeze %dma_start3A_156 : memref<1x1x16x768xf32, #tpu.memory_space<vmem>> -> memref<1x16x768xf32, #tpu.memory_space<vmem>>
      %dma_start3A_158 = arith.constant 0 : i32
      %dma_start3A_159 = tpu.memref_slice %arg2[%mul3A_142, %mul3A_144, %dma_start3A_158] : memref<128x576x768xf32, #tpu.memory_space<hbm>> -> memref<1x16x768xf32, #tpu.memory_space<hbm>>
      tpu.enqueue_dma source(%dma_start3A_159 : memref<1x16x768xf32, #tpu.memory_space<hbm>>) target(%dma_start3A_157 : memref<1x16x768xf32, #tpu.memory_space<vmem>>) target_semaphore(%dma_start3A_152 : memref<!tpu.dma_semaphore, #tpu.memory_space<semaphore_mem>>)
      %add3A_160 = arith.constant 0 : i32
      %add3A_161 = arith.constant 1 : i32
      %add3A_162 = arith.addi %add3A_160, %add3A_161 : i32
      %select_n3A_163 = arith.constant true
      %select_n3A_164 = arith.constant 0 : i32
      %select_n3A_165 = arith.select %select_n3A_163, %add3A_162, %select_n3A_164 : i32
      %rem3A_166 = arith.constant 0 : i32
      %rem3A_167 = arith.constant 2 : i32
      %rem3A_168 = arith.remui %rem3A_166, %rem3A_167 : i32
      %jit3A_169 = arith.constant 8 : i32
      %div3A_170 = arith.divsi %add3A_13, %jit3A_169 : i32
      %sign3A_171 = arith.constant 0 : i32
      %sign3A_172 = arith.cmpi sgt, %add3A_13, %sign3A_171 : i32
      %sign3A_173 = arith.extui %sign3A_172 : i1 to i32
      %sign3A_174 = arith.constant 0 : i32
      %sign3A_175 = arith.cmpi slt, %add3A_13, %sign3A_174 : i32
      %sign3A_176 = arith.extui %sign3A_175 : i1 to i32
      %sign3A_177 = arith.subi %sign3A_173, %sign3A_176 : i32
      %sign3A_178 = arith.constant 0 : i32
      %sign3A_179 = arith.cmpi sgt, %jit3A_169, %sign3A_178 : i32
      %sign3A_180 = arith.extui %sign3A_179 : i1 to i32
      %sign3A_181 = arith.constant 0 : i32
      %sign3A_182 = arith.cmpi slt, %jit3A_169, %sign3A_181 : i32
      %sign3A_183 = arith.extui %sign3A_182 : i1 to i32
      %sign3A_184 = arith.subi %sign3A_180, %sign3A_183 : i32
      %ne3A_185 = arith.cmpi ne, %sign3A_177, %sign3A_184 : i32
      %rem3A_186 = arith.remsi %add3A_13, %jit3A_169 : i32
      %ne3A_187 = arith.constant 0 : i32
      %ne3A_188 = arith.cmpi ne, %rem3A_186, %ne3A_187 : i32
      %and3A_189 = arith.andi %ne3A_185, %ne3A_188 : i1
      %sub3A_190 = arith.constant 1 : i32
      %sub3A_191 = arith.subi %div3A_170, %sub3A_190 : i32
      %select_n3A_192 = arith.select %and3A_189, %sub3A_191, %div3A_170 : i32
      %mul3A_193 = arith.constant 9 : i32
      %mul3A_194 = arith.muli %select_n3A_192, %mul3A_193 : i32
      %add3A_195 = arith.constant 0 : i32
      %add3A_196 = arith.addi %mul3A_194, %add3A_195 : i32
      %mul3A_197 = arith.constant 16 : i32
      %mul3A_198 = arith.muli %mul3A_197, %add3A_196 : i32
      %dma_start3A_199 = arith.constant 0 : i32
      %dma_start3A_200 = arith.constant 0 : i32
      %dma_start3A_201 = tpu.memref_slice %run_scoped3A_8[%rem3A_168, %dma_start3A_199, %dma_start3A_200] : memref<2x16x768xf32, #tpu.memory_space<vmem>> -> memref<1x16x768xf32, #tpu.memory_space<vmem>>
      %dma_start3A_202 = tpu.memref_squeeze %dma_start3A_201 : memref<1x16x768xf32, #tpu.memory_space<vmem>> -> memref<16x768xf32, #tpu.memory_space<vmem>>
      %dma_start3A_203 = arith.constant 0 : i32
      %dma_start3A_204 = tpu.memref_slice %arg3[%mul3A_198, %dma_start3A_203] : memref<576x768xf32, #tpu.memory_space<hbm>> -> memref<16x768xf32, #tpu.memory_space<hbm>>
      %dma_start3A_205 = tpu.memref_slice %run_scoped3A_9[%rem3A_168] : memref<2x!tpu.dma_semaphore, #tpu.memory_space<semaphore_mem>> -> memref<1x!tpu.dma_semaphore, #tpu.memory_space<semaphore_mem>>
      %dma_start3A_206 = tpu.memref_squeeze %dma_start3A_205 : memref<1x!tpu.dma_semaphore, #tpu.memory_space<semaphore_mem>> -> memref<!tpu.dma_semaphore, #tpu.memory_space<semaphore_mem>>
      %dma_start3A_207 = arith.constant 0 : i32
      %dma_start3A_208 = arith.constant 0 : i32
      %dma_start3A_209 = tpu.memref_slice %run_scoped3A_8[%rem3A_168, %dma_start3A_207, %dma_start3A_208] : memref<2x16x768xf32, #tpu.memory_space<vmem>> -> memref<1x16x768xf32, #tpu.memory_space<vmem>>
      %dma_start3A_210 = tpu.memref_squeeze %dma_start3A_209 : memref<1x16x768xf32, #tpu.memory_space<vmem>> -> memref<16x768xf32, #tpu.memory_space<vmem>>
      %dma_start3A_211 = arith.constant 0 : i32
      %dma_start3A_212 = tpu.memref_slice %arg3[%mul3A_198, %dma_start3A_211] : memref<576x768xf32, #tpu.memory_space<hbm>> -> memref<16x768xf32, #tpu.memory_space<hbm>>
      tpu.enqueue_dma source(%dma_start3A_212 : memref<16x768xf32, #tpu.memory_space<hbm>>) target(%dma_start3A_210 : memref<16x768xf32, #tpu.memory_space<vmem>>) target_semaphore(%dma_start3A_206 : memref<!tpu.dma_semaphore, #tpu.memory_space<semaphore_mem>>)
      %add3A_213 = arith.constant 0 : i32
      %add3A_214 = arith.constant 1 : i32
      %add3A_215 = arith.addi %add3A_213, %add3A_214 : i32
      %select_n3A_216 = arith.constant true
      %select_n3A_217 = arith.constant 0 : i32
      %select_n3A_218 = arith.select %select_n3A_216, %add3A_215, %select_n3A_217 : i32
      "tpu.trace_stop"() : () -> ()
      %scan3A = arith.constant 0 : i32
      %scan3A_219 = arith.constant 0 : i32
      %scan3A_220 = arith.constant 0 : i32
      %scan3A_221 = arith.constant 0 : i32
      %scan3A_222 = arith.constant 0 : i32
      %scan3A_223 = arith.constant 0 : i32
      %scan3A_224 = arith.constant 0 : i32
      %scan3A_225 = arith.constant 0 : i32
      %scan3A_226 = arith.constant 36 : i32
      %scan3A_227 = arith.addi %scan3A_225, %scan3A_226 : i32
      %scan3A_228 = arith.constant 1 : i32
      %scan3A_229:9 = scf.for %scan3A_410 = %scan3A_225 to %scan3A_227 step %scan3A_228 iter_args(%scan3A_411 = %select_n3A_165, %scan3A_412 = %scan3A, %scan3A_413 = %select_n3A_218, %scan3A_414 = %scan3A_219, %scan3A_415 = %scan3A_220, %scan3A_416 = %scan3A_221, %scan3A_417 = %scan3A_222, %scan3A_418 = %scan3A_223, %scan3A_419 = %scan3A_224) -> (i32, i32, i32, i32, i32, i32, i32, i32, i32)  : i32 {
        %eq3A_420 = arith.constant 0 : i32
        %eq3A_421 = arith.cmpi eq, %scan3A_410, %eq3A_420 : i32
        %eq3A_422 = arith.constant 35 : i32
        %eq3A_423 = arith.cmpi eq, %scan3A_410, %eq3A_422 : i32
        %add3A_424 = arith.constant 0 : i32
        %add3A_425 = arith.addi %add3A_424, %mul3A_6 : i32
        %add3A_426 = arith.constant 0 : i32
        %add3A_427 = arith.addi %scan3A_418, %add3A_426 : i32
        %add3A_428 = arith.constant 0 : i32
        %add3A_429 = arith.addi %scan3A_419, %add3A_428 : i32
        %sub3A_430 = arith.constant 1 : i32
        %sub3A_431 = arith.subi %scan3A_419, %sub3A_430 : i32
        %select_n3A_432 = arith.constant true
        %select_n3A_433 = arith.select %select_n3A_432, %sub3A_431, %scan3A_419 : i32
        %eq3A_434 = arith.constant -1 : i32
        %eq3A_435 = arith.cmpi eq, %select_n3A_433, %eq3A_434 : i32
        %select_n3A_436 = arith.constant 3 : i32
        %select_n3A_437 = arith.select %eq3A_435, %select_n3A_436, %select_n3A_433 : i32
        %sub3A_438 = arith.constant 1 : i32
        %sub3A_439 = arith.subi %scan3A_418, %sub3A_438 : i32
        %select_n3A_440 = arith.select %eq3A_435, %sub3A_439, %scan3A_418 : i32
        %eq3A_441 = arith.constant -1 : i32
        %eq3A_442 = arith.cmpi eq, %select_n3A_440, %eq3A_441 : i32
        %select_n3A_443 = arith.constant 8 : i32
        %select_n3A_444 = arith.select %eq3A_442, %select_n3A_443, %select_n3A_440 : i32
        %select_n3A_445 = arith.constant 0 : i32
        %select_n3A_446 = arith.constant -1 : i32
        %select_n3A_447 = arith.select %eq3A_442, %select_n3A_446, %select_n3A_445 : i32
        %eq3A_448 = arith.constant -1 : i32
        %eq3A_449 = arith.cmpi eq, %select_n3A_447, %eq3A_448 : i32
        %select_n3A_450 = arith.constant 0 : i32
        %select_n3A_451 = arith.select %eq3A_449, %select_n3A_450, %select_n3A_447 : i32
        %add3A_452 = arith.constant 0 : i32
        %add3A_453 = arith.addi %add3A_452, %mul3A_6 : i32
        %add3A_454 = arith.constant 0 : i32
        %add3A_455 = arith.addi %select_n3A_444, %add3A_454 : i32
        %add3A_456 = arith.constant 0 : i32
        %add3A_457 = arith.addi %select_n3A_437, %add3A_456 : i32
        %add3A_458 = arith.constant 1 : i32
        %add3A_459 = arith.addi %scan3A_419, %add3A_458 : i32
        %select_n3A_460 = arith.constant true
        %select_n3A_461 = arith.select %select_n3A_460, %add3A_459, %scan3A_419 : i32
        %eq3A_462 = arith.constant 4 : i32
        %eq3A_463 = arith.cmpi eq, %select_n3A_461, %eq3A_462 : i32
        %select_n3A_464 = arith.constant 0 : i32
        %select_n3A_465 = arith.select %eq3A_463, %select_n3A_464, %select_n3A_461 : i32
        %add3A_466 = arith.constant 1 : i32
        %add3A_467 = arith.addi %scan3A_418, %add3A_466 : i32
        %select_n3A_468 = arith.select %eq3A_463, %add3A_467, %scan3A_418 : i32
        %eq3A_469 = arith.constant 9 : i32
        %eq3A_470 = arith.cmpi eq, %select_n3A_468, %eq3A_469 : i32
        %select_n3A_471 = arith.constant 0 : i32
        %select_n3A_472 = arith.select %eq3A_470, %select_n3A_471, %select_n3A_468 : i32
        %select_n3A_473 = arith.constant 0 : i32
        %select_n3A_474 = arith.constant 1 : i32
        %select_n3A_475 = arith.select %eq3A_470, %select_n3A_474, %select_n3A_473 : i32
        %eq3A_476 = arith.constant 1 : i32
        %eq3A_477 = arith.cmpi eq, %select_n3A_475, %eq3A_476 : i32
        %select_n3A_478 = arith.constant 0 : i32
        %select_n3A_479 = arith.select %eq3A_477, %select_n3A_478, %select_n3A_475 : i32
        %add3A_480 = arith.constant 0 : i32
        %add3A_481 = arith.addi %add3A_480, %mul3A_6 : i32
        %add3A_482 = arith.constant 0 : i32
        %add3A_483 = arith.addi %select_n3A_472, %add3A_482 : i32
        %add3A_484 = arith.constant 0 : i32
        %add3A_485 = arith.addi %select_n3A_465, %add3A_484 : i32
        %add3A_486 = arith.constant 1 : i32
        %add3A_487 = arith.addi %select_n3A_465, %add3A_486 : i32
        %select_n3A_488 = arith.constant true
        %select_n3A_489 = arith.select %select_n3A_488, %add3A_487, %select_n3A_465 : i32
        %eq3A_490 = arith.constant 4 : i32
        %eq3A_491 = arith.cmpi eq, %select_n3A_489, %eq3A_490 : i32
        %select_n3A_492 = arith.constant 0 : i32
        %select_n3A_493 = arith.select %eq3A_491, %select_n3A_492, %select_n3A_489 : i32
        %add3A_494 = arith.constant 1 : i32
        %add3A_495 = arith.addi %select_n3A_472, %add3A_494 : i32
        %select_n3A_496 = arith.select %eq3A_491, %add3A_495, %select_n3A_472 : i32
        %eq3A_497 = arith.constant 9 : i32
        %eq3A_498 = arith.cmpi eq, %select_n3A_496, %eq3A_497 : i32
        %select_n3A_499 = arith.constant 0 : i32
        %select_n3A_500 = arith.select %eq3A_498, %select_n3A_499, %select_n3A_496 : i32
        %select_n3A_501 = arith.constant 0 : i32
        %select_n3A_502 = arith.constant 1 : i32
        %select_n3A_503 = arith.select %eq3A_498, %select_n3A_502, %select_n3A_501 : i32
        %eq3A_504 = arith.constant 1 : i32
        %eq3A_505 = arith.cmpi eq, %select_n3A_503, %eq3A_504 : i32
        %select_n3A_506 = arith.constant 0 : i32
        %select_n3A_507 = arith.select %eq3A_505, %select_n3A_506, %select_n3A_503 : i32
        %add3A_508 = arith.constant 0 : i32
        %add3A_509 = arith.addi %add3A_508, %mul3A_6 : i32
        %add3A_510 = arith.constant 0 : i32
        %add3A_511 = arith.addi %select_n3A_500, %add3A_510 : i32
        %add3A_512 = arith.constant 0 : i32
        %add3A_513 = arith.addi %select_n3A_493, %add3A_512 : i32
        %jit3A_514 = arith.constant 8 : i32
        %eq3A_515 = arith.constant 0 : i32
        %eq3A_516 = arith.cmpi eq, %jit3A_514, %eq3A_515 : i32
        %jit3A_517 = arith.constant 1 : i32
        %select_n3A_518 = arith.select %eq3A_516, %jit3A_517, %jit3A_514 : i32
        %rem3A_519 = arith.remsi %add3A_425, %select_n3A_518 : i32
        %ne3A_520 = arith.constant 0 : i32
        %ne3A_521 = arith.cmpi ne, %rem3A_519, %ne3A_520 : i32
        %lt3A_522 = arith.constant 0 : i32
        %lt3A_523 = arith.cmpi slt, %rem3A_519, %lt3A_522 : i32
        %lt3A_524 = arith.constant 0 : i32
        %lt3A_525 = arith.cmpi slt, %select_n3A_518, %lt3A_524 : i32
        %ne3A_526 = arith.xori %lt3A_523, %lt3A_525 : i1
        %and3A_527 = arith.andi %ne3A_526, %ne3A_521 : i1
        %add3A_528 = arith.addi %rem3A_519, %select_n3A_518 : i32
        %select_n3A_529 = arith.select %and3A_527, %add3A_528, %rem3A_519 : i32
        %mul3A_530 = arith.constant 4 : i32
        %mul3A_531 = arith.muli %select_n3A_529, %mul3A_530 : i32
        %add3A_532 = arith.constant 96 : i32
        %add3A_533 = arith.addi %add3A_532, %mul3A_531 : i32
        %add3A_534 = arith.addi %add3A_533, %add3A_429 : i32
        %jit3A_535 = arith.constant 8 : i32
        %div3A_536 = arith.divsi %add3A_425, %jit3A_535 : i32
        %sign3A_537 = arith.constant 0 : i32
        %sign3A_538 = arith.cmpi sgt, %add3A_425, %sign3A_537 : i32
        %sign3A_539 = arith.extui %sign3A_538 : i1 to i32
        %sign3A_540 = arith.constant 0 : i32
        %sign3A_541 = arith.cmpi slt, %add3A_425, %sign3A_540 : i32
        %sign3A_542 = arith.extui %sign3A_541 : i1 to i32
        %sign3A_543 = arith.subi %sign3A_539, %sign3A_542 : i32
        %sign3A_544 = arith.constant 0 : i32
        %sign3A_545 = arith.cmpi sgt, %jit3A_535, %sign3A_544 : i32
        %sign3A_546 = arith.extui %sign3A_545 : i1 to i32
        %sign3A_547 = arith.constant 0 : i32
        %sign3A_548 = arith.cmpi slt, %jit3A_535, %sign3A_547 : i32
        %sign3A_549 = arith.extui %sign3A_548 : i1 to i32
        %sign3A_550 = arith.subi %sign3A_546, %sign3A_549 : i32
        %ne3A_551 = arith.cmpi ne, %sign3A_543, %sign3A_550 : i32
        %rem3A_552 = arith.remsi %add3A_425, %jit3A_535 : i32
        %ne3A_553 = arith.constant 0 : i32
        %ne3A_554 = arith.cmpi ne, %rem3A_552, %ne3A_553 : i32
        %and3A_555 = arith.andi %ne3A_551, %ne3A_554 : i1
        %sub3A_556 = arith.constant 1 : i32
        %sub3A_557 = arith.subi %div3A_536, %sub3A_556 : i32
        %select_n3A_558 = arith.select %and3A_555, %sub3A_557, %div3A_536 : i32
        %mul3A_559 = arith.constant 9 : i32
        %mul3A_560 = arith.muli %select_n3A_558, %mul3A_559 : i32
        %add3A_561 = arith.addi %mul3A_560, %add3A_427 : i32
        %jit3A_562 = arith.constant 8 : i32
        %eq3A_563 = arith.constant 0 : i32
        %eq3A_564 = arith.cmpi eq, %jit3A_562, %eq3A_563 : i32
        %jit3A_565 = arith.constant 1 : i32
        %select_n3A_566 = arith.select %eq3A_564, %jit3A_565, %jit3A_562 : i32
        %rem3A_567 = arith.remsi %add3A_481, %select_n3A_566 : i32
        %ne3A_568 = arith.constant 0 : i32
        %ne3A_569 = arith.cmpi ne, %rem3A_567, %ne3A_568 : i32
        %lt3A_570 = arith.constant 0 : i32
        %lt3A_571 = arith.cmpi slt, %rem3A_567, %lt3A_570 : i32
        %lt3A_572 = arith.constant 0 : i32
        %lt3A_573 = arith.cmpi slt, %select_n3A_566, %lt3A_572 : i32
        %ne3A_574 = arith.xori %lt3A_571, %lt3A_573 : i1
        %and3A_575 = arith.andi %ne3A_574, %ne3A_569 : i1
        %add3A_576 = arith.addi %rem3A_567, %select_n3A_566 : i32
        %select_n3A_577 = arith.select %and3A_575, %add3A_576, %rem3A_567 : i32
        %mul3A_578 = arith.constant 4 : i32
        %mul3A_579 = arith.muli %select_n3A_577, %mul3A_578 : i32
        %add3A_580 = arith.constant 96 : i32
        %add3A_581 = arith.addi %add3A_580, %mul3A_579 : i32
        %add3A_582 = arith.addi %add3A_581, %add3A_485 : i32
        %jit3A_583 = arith.constant 8 : i32
        %div3A_584 = arith.divsi %add3A_481, %jit3A_583 : i32
        %sign3A_585 = arith.constant 0 : i32
        %sign3A_586 = arith.cmpi sgt, %add3A_481, %sign3A_585 : i32
        %sign3A_587 = arith.extui %sign3A_586 : i1 to i32
        %sign3A_588 = arith.constant 0 : i32
        %sign3A_589 = arith.cmpi slt, %add3A_481, %sign3A_588 : i32
        %sign3A_590 = arith.extui %sign3A_589 : i1 to i32
        %sign3A_591 = arith.subi %sign3A_587, %sign3A_590 : i32
        %sign3A_592 = arith.constant 0 : i32
        %sign3A_593 = arith.cmpi sgt, %jit3A_583, %sign3A_592 : i32
        %sign3A_594 = arith.extui %sign3A_593 : i1 to i32
        %sign3A_595 = arith.constant 0 : i32
        %sign3A_596 = arith.cmpi slt, %jit3A_583, %sign3A_595 : i32
        %sign3A_597 = arith.extui %sign3A_596 : i1 to i32
        %sign3A_598 = arith.subi %sign3A_594, %sign3A_597 : i32
        %ne3A_599 = arith.cmpi ne, %sign3A_591, %sign3A_598 : i32
        %rem3A_600 = arith.remsi %add3A_481, %jit3A_583 : i32
        %ne3A_601 = arith.constant 0 : i32
        %ne3A_602 = arith.cmpi ne, %rem3A_600, %ne3A_601 : i32
        %and3A_603 = arith.andi %ne3A_599, %ne3A_602 : i1
        %sub3A_604 = arith.constant 1 : i32
        %sub3A_605 = arith.subi %div3A_584, %sub3A_604 : i32
        %select_n3A_606 = arith.select %and3A_603, %sub3A_605, %div3A_584 : i32
        %mul3A_607 = arith.constant 9 : i32
        %mul3A_608 = arith.muli %select_n3A_606, %mul3A_607 : i32
        %add3A_609 = arith.addi %mul3A_608, %add3A_483 : i32
        %ne3A_610 = arith.cmpi ne, %add3A_534, %add3A_582 : i32
        %ne3A_611 = arith.cmpi ne, %add3A_561, %add3A_609 : i32
        %or3A = arith.constant false
        %or3A_612 = arith.ori %or3A, %ne3A_610 : i1
        %or3A_613 = arith.ori %or3A_612, %ne3A_611 : i1
        %or3A_614 = arith.constant false
        %or3A_615 = arith.ori %or3A_613, %or3A_614 : i1
        %ge3A = arith.constant 35 : i32
        %ge3A_616 = arith.cmpi sge, %scan3A_410, %ge3A : i32
        %not3A = arith.constant true
        %not3A_617 = arith.xori %ge3A_616, %not3A : i1
        %and3A_618 = arith.andi %or3A_615, %not3A_617 : i1
        %convert_element_type3A = arith.extui %and3A_618 : i1 to i32
        %cond3A = arith.constant 0 : i32
        %cond3A_619 = arith.cmpi ne, %convert_element_type3A, %cond3A : i32
        scf.if %cond3A_619 {
          "tpu.trace_start"() <{level = 10 : i32, message = "ep_copy_in"}> : () -> ()
          %rem3A_1848 = arith.constant 2 : i32
          %rem3A_1849 = arith.remui %scan3A_411, %rem3A_1848 : i32
          %jit3A_1850 = arith.constant 8 : i32
          %eq3A_1851 = arith.constant 0 : i32
          %eq3A_1852 = arith.cmpi eq, %jit3A_1850, %eq3A_1851 : i32
          %jit3A_1853 = arith.constant 1 : i32
          %select_n3A_1854 = arith.select %eq3A_1852, %jit3A_1853, %jit3A_1850 : i32
          %rem3A_1855 = arith.remsi %add3A_481, %select_n3A_1854 : i32
          %ne3A_1856 = arith.constant 0 : i32
          %ne3A_1857 = arith.cmpi ne, %rem3A_1855, %ne3A_1856 : i32
          %lt3A_1858 = arith.constant 0 : i32
          %lt3A_1859 = arith.cmpi slt, %rem3A_1855, %lt3A_1858 : i32
          %lt3A_1860 = arith.constant 0 : i32
          %lt3A_1861 = arith.cmpi slt, %select_n3A_1854, %lt3A_1860 : i32
          %ne3A_1862 = arith.xori %lt3A_1859, %lt3A_1861 : i1
          %and3A_1863 = arith.andi %ne3A_1862, %ne3A_1857 : i1
          %add3A_1864 = arith.addi %rem3A_1855, %select_n3A_1854 : i32
          %select_n3A_1865 = arith.select %and3A_1863, %add3A_1864, %rem3A_1855 : i32
          %mul3A_1866 = arith.constant 4 : i32
          %mul3A_1867 = arith.muli %select_n3A_1865, %mul3A_1866 : i32
          %add3A_1868 = arith.constant 96 : i32
          %add3A_1869 = arith.addi %add3A_1868, %mul3A_1867 : i32
          %add3A_1870 = arith.addi %add3A_1869, %add3A_485 : i32
          %jit3A_1871 = arith.constant 8 : i32
          %div3A_1872 = arith.divsi %add3A_481, %jit3A_1871 : i32
          %sign3A_1873 = arith.constant 0 : i32
          %sign3A_1874 = arith.cmpi sgt, %add3A_481, %sign3A_1873 : i32
          %sign3A_1875 = arith.extui %sign3A_1874 : i1 to i32
          %sign3A_1876 = arith.constant 0 : i32
          %sign3A_1877 = arith.cmpi slt, %add3A_481, %sign3A_1876 : i32
          %sign3A_1878 = arith.extui %sign3A_1877 : i1 to i32
          %sign3A_1879 = arith.subi %sign3A_1875, %sign3A_1878 : i32
          %sign3A_1880 = arith.constant 0 : i32
          %sign3A_1881 = arith.cmpi sgt, %jit3A_1871, %sign3A_1880 : i32
          %sign3A_1882 = arith.extui %sign3A_1881 : i1 to i32
          %sign3A_1883 = arith.constant 0 : i32
          %sign3A_1884 = arith.cmpi slt, %jit3A_1871, %sign3A_1883 : i32
          %sign3A_1885 = arith.extui %sign3A_1884 : i1 to i32
          %sign3A_1886 = arith.subi %sign3A_1882, %sign3A_1885 : i32
          %ne3A_1887 = arith.cmpi ne, %sign3A_1879, %sign3A_1886 : i32
          %rem3A_1888 = arith.remsi %add3A_481, %jit3A_1871 : i32
          %ne3A_1889 = arith.constant 0 : i32
          %ne3A_1890 = arith.cmpi ne, %rem3A_1888, %ne3A_1889 : i32
          %and3A_1891 = arith.andi %ne3A_1887, %ne3A_1890 : i1
          %sub3A_1892 = arith.constant 1 : i32
          %sub3A_1893 = arith.subi %div3A_1872, %sub3A_1892 : i32
          %select_n3A_1894 = arith.select %and3A_1891, %sub3A_1893, %div3A_1872 : i32
          %mul3A_1895 = arith.constant 9 : i32
          %mul3A_1896 = arith.muli %select_n3A_1894, %mul3A_1895 : i32
          %add3A_1897 = arith.addi %mul3A_1896, %add3A_483 : i32
          %mul3A_1898 = arith.constant 1 : i32
          %mul3A_1899 = arith.muli %mul3A_1898, %add3A_1870 : i32
          %mul3A_1900 = arith.constant 16 : i32
          %mul3A_1901 = arith.muli %mul3A_1900, %add3A_1897 : i32
          %dma_start3A_1902 = arith.constant 0 : i32
          %dma_start3A_1903 = arith.constant 0 : i32
          %dma_start3A_1904 = arith.constant 0 : i32
          %dma_start3A_1905 = tpu.memref_slice %run_scoped3A[%rem3A_1849, %dma_start3A_1902, %dma_start3A_1903, %dma_start3A_1904] : memref<2x1x16x768xf32, #tpu.memory_space<vmem>> -> memref<1x1x16x768xf32, #tpu.memory_space<vmem>>
          %dma_start3A_1906 = tpu.memref_squeeze %dma_start3A_1905 : memref<1x1x16x768xf32, #tpu.memory_space<vmem>> -> memref<1x16x768xf32, #tpu.memory_space<vmem>>
          %dma_start3A_1907 = arith.constant 0 : i32
          %dma_start3A_1908 = tpu.memref_slice %arg2[%mul3A_1899, %mul3A_1901, %dma_start3A_1907] : memref<128x576x768xf32, #tpu.memory_space<hbm>> -> memref<1x16x768xf32, #tpu.memory_space<hbm>>
          %dma_start3A_1909 = tpu.memref_slice %run_scoped3A_7[%rem3A_1849] : memref<2x!tpu.dma_semaphore, #tpu.memory_space<semaphore_mem>> -> memref<1x!tpu.dma_semaphore, #tpu.memory_space<semaphore_mem>>
          %dma_start3A_1910 = tpu.memref_squeeze %dma_start3A_1909 : memref<1x!tpu.dma_semaphore, #tpu.memory_space<semaphore_mem>> -> memref<!tpu.dma_semaphore, #tpu.memory_space<semaphore_mem>>
          %dma_start3A_1911 = arith.constant 0 : i32
          %dma_start3A_1912 = arith.constant 0 : i32
          %dma_start3A_1913 = arith.constant 0 : i32
          %dma_start3A_1914 = tpu.memref_slice %run_scoped3A[%rem3A_1849, %dma_start3A_1911, %dma_start3A_1912, %dma_start3A_1913] : memref<2x1x16x768xf32, #tpu.memory_space<vmem>> -> memref<1x1x16x768xf32, #tpu.memory_space<vmem>>
          %dma_start3A_1915 = tpu.memref_squeeze %dma_start3A_1914 : memref<1x1x16x768xf32, #tpu.memory_space<vmem>> -> memref<1x16x768xf32, #tpu.memory_space<vmem>>
          %dma_start3A_1916 = arith.constant 0 : i32
          %dma_start3A_1917 = tpu.memref_slice %arg2[%mul3A_1899, %mul3A_1901, %dma_start3A_1916] : memref<128x576x768xf32, #tpu.memory_space<hbm>> -> memref<1x16x768xf32, #tpu.memory_space<hbm>>
          tpu.enqueue_dma source(%dma_start3A_1917 : memref<1x16x768xf32, #tpu.memory_space<hbm>>) target(%dma_start3A_1915 : memref<1x16x768xf32, #tpu.memory_space<vmem>>) target_semaphore(%dma_start3A_1910 : memref<!tpu.dma_semaphore, #tpu.memory_space<semaphore_mem>>)
          "tpu.trace_stop"() : () -> ()
        } else {
        }
        %and3A_620 = arith.constant true
        %and3A_621 = arith.andi %and3A_618, %and3A_620 : i1
        %add3A_622 = arith.constant 1 : i32
        %add3A_623 = arith.addi %scan3A_411, %add3A_622 : i32
        %select_n3A_624 = arith.select %and3A_621, %add3A_623, %scan3A_411 : i32
        %jit3A_625 = arith.constant 8 : i32
        %div3A_626 = arith.divsi %add3A_425, %jit3A_625 : i32
        %sign3A_627 = arith.constant 0 : i32
        %sign3A_628 = arith.cmpi sgt, %add3A_425, %sign3A_627 : i32
        %sign3A_629 = arith.extui %sign3A_628 : i1 to i32
        %sign3A_630 = arith.constant 0 : i32
        %sign3A_631 = arith.cmpi slt, %add3A_425, %sign3A_630 : i32
        %sign3A_632 = arith.extui %sign3A_631 : i1 to i32
        %sign3A_633 = arith.subi %sign3A_629, %sign3A_632 : i32
        %sign3A_634 = arith.constant 0 : i32
        %sign3A_635 = arith.cmpi sgt, %jit3A_625, %sign3A_634 : i32
        %sign3A_636 = arith.extui %sign3A_635 : i1 to i32
        %sign3A_637 = arith.constant 0 : i32
        %sign3A_638 = arith.cmpi slt, %jit3A_625, %sign3A_637 : i32
        %sign3A_639 = arith.extui %sign3A_638 : i1 to i32
        %sign3A_640 = arith.subi %sign3A_636, %sign3A_639 : i32
        %ne3A_641 = arith.cmpi ne, %sign3A_633, %sign3A_640 : i32
        %rem3A_642 = arith.remsi %add3A_425, %jit3A_625 : i32
        %ne3A_643 = arith.constant 0 : i32
        %ne3A_644 = arith.cmpi ne, %rem3A_642, %ne3A_643 : i32
        %and3A_645 = arith.andi %ne3A_641, %ne3A_644 : i1
        %sub3A_646 = arith.constant 1 : i32
        %sub3A_647 = arith.subi %div3A_626, %sub3A_646 : i32
        %select_n3A_648 = arith.select %and3A_645, %sub3A_647, %div3A_626 : i32
        %mul3A_649 = arith.constant 9 : i32
        %mul3A_650 = arith.muli %select_n3A_648, %mul3A_649 : i32
        %add3A_651 = arith.addi %mul3A_650, %add3A_427 : i32
        %jit3A_652 = arith.constant 8 : i32
        %div3A_653 = arith.divsi %add3A_481, %jit3A_652 : i32
        %sign3A_654 = arith.constant 0 : i32
        %sign3A_655 = arith.cmpi sgt, %add3A_481, %sign3A_654 : i32
        %sign3A_656 = arith.extui %sign3A_655 : i1 to i32
        %sign3A_657 = arith.constant 0 : i32
        %sign3A_658 = arith.cmpi slt, %add3A_481, %sign3A_657 : i32
        %sign3A_659 = arith.extui %sign3A_658 : i1 to i32
        %sign3A_660 = arith.subi %sign3A_656, %sign3A_659 : i32
        %sign3A_661 = arith.constant 0 : i32
        %sign3A_662 = arith.cmpi sgt, %jit3A_652, %sign3A_661 : i32
        %sign3A_663 = arith.extui %sign3A_662 : i1 to i32
        %sign3A_664 = arith.constant 0 : i32
        %sign3A_665 = arith.cmpi slt, %jit3A_652, %sign3A_664 : i32
        %sign3A_666 = arith.extui %sign3A_665 : i1 to i32
        %sign3A_667 = arith.subi %sign3A_663, %sign3A_666 : i32
        %ne3A_668 = arith.cmpi ne, %sign3A_660, %sign3A_667 : i32
        %rem3A_669 = arith.remsi %add3A_481, %jit3A_652 : i32
        %ne3A_670 = arith.constant 0 : i32
        %ne3A_671 = arith.cmpi ne, %rem3A_669, %ne3A_670 : i32
        %and3A_672 = arith.andi %ne3A_668, %ne3A_671 : i1
        %sub3A_673 = arith.constant 1 : i32
        %sub3A_674 = arith.subi %div3A_653, %sub3A_673 : i32
        %select_n3A_675 = arith.select %and3A_672, %sub3A_674, %div3A_653 : i32
        %mul3A_676 = arith.constant 9 : i32
        %mul3A_677 = arith.muli %select_n3A_675, %mul3A_676 : i32
        %add3A_678 = arith.addi %mul3A_677, %add3A_483 : i32
        %ne3A_679 = arith.cmpi ne, %add3A_651, %add3A_678 : i32
        %or3A_680 = arith.constant false
        %or3A_681 = arith.ori %or3A_680, %ne3A_679 : i1
        %or3A_682 = arith.constant false
        %or3A_683 = arith.ori %or3A_681, %or3A_682 : i1
        %ge3A_684 = arith.constant 35 : i32
        %ge3A_685 = arith.cmpi sge, %scan3A_410, %ge3A_684 : i32
        %not3A_686 = arith.constant true
        %not3A_687 = arith.xori %ge3A_685, %not3A_686 : i1
        %and3A_688 = arith.andi %or3A_683, %not3A_687 : i1
        %convert_element_type3A_689 = arith.extui %and3A_688 : i1 to i32
        %cond3A_690 = arith.constant 0 : i32
        %cond3A_691 = arith.cmpi ne, %convert_element_type3A_689, %cond3A_690 : i32
        scf.if %cond3A_691 {
          "tpu.trace_start"() <{level = 10 : i32, message = "ep_copy_in"}> : () -> ()
          %rem3A_1848 = arith.constant 2 : i32
          %rem3A_1849 = arith.remui %scan3A_413, %rem3A_1848 : i32
          %jit3A_1850 = arith.constant 8 : i32
          %div3A_1851 = arith.divsi %add3A_481, %jit3A_1850 : i32
          %sign3A_1852 = arith.constant 0 : i32
          %sign3A_1853 = arith.cmpi sgt, %add3A_481, %sign3A_1852 : i32
          %sign3A_1854 = arith.extui %sign3A_1853 : i1 to i32
          %sign3A_1855 = arith.constant 0 : i32
          %sign3A_1856 = arith.cmpi slt, %add3A_481, %sign3A_1855 : i32
          %sign3A_1857 = arith.extui %sign3A_1856 : i1 to i32
          %sign3A_1858 = arith.subi %sign3A_1854, %sign3A_1857 : i32
          %sign3A_1859 = arith.constant 0 : i32
          %sign3A_1860 = arith.cmpi sgt, %jit3A_1850, %sign3A_1859 : i32
          %sign3A_1861 = arith.extui %sign3A_1860 : i1 to i32
          %sign3A_1862 = arith.constant 0 : i32
          %sign3A_1863 = arith.cmpi slt, %jit3A_1850, %sign3A_1862 : i32
          %sign3A_1864 = arith.extui %sign3A_1863 : i1 to i32
          %sign3A_1865 = arith.subi %sign3A_1861, %sign3A_1864 : i32
          %ne3A_1866 = arith.cmpi ne, %sign3A_1858, %sign3A_1865 : i32
          %rem3A_1867 = arith.remsi %add3A_481, %jit3A_1850 : i32
          %ne3A_1868 = arith.constant 0 : i32
          %ne3A_1869 = arith.cmpi ne, %rem3A_1867, %ne3A_1868 : i32
          %and3A_1870 = arith.andi %ne3A_1866, %ne3A_1869 : i1
          %sub3A_1871 = arith.constant 1 : i32
          %sub3A_1872 = arith.subi %div3A_1851, %sub3A_1871 : i32
          %select_n3A_1873 = arith.select %and3A_1870, %sub3A_1872, %div3A_1851 : i32
          %mul3A_1874 = arith.constant 9 : i32
          %mul3A_1875 = arith.muli %select_n3A_1873, %mul3A_1874 : i32
          %add3A_1876 = arith.addi %mul3A_1875, %add3A_483 : i32
          %mul3A_1877 = arith.constant 16 : i32
          %mul3A_1878 = arith.muli %mul3A_1877, %add3A_1876 : i32
          %dma_start3A_1879 = arith.constant 0 : i32
          %dma_start3A_1880 = arith.constant 0 : i32
          %dma_start3A_1881 = tpu.memref_slice %run_scoped3A_8[%rem3A_1849, %dma_start3A_1879, %dma_start3A_1880] : memref<2x16x768xf32, #tpu.memory_space<vmem>> -> memref<1x16x768xf32, #tpu.memory_space<vmem>>
          %dma_start3A_1882 = tpu.memref_squeeze %dma_start3A_1881 : memref<1x16x768xf32, #tpu.memory_space<vmem>> -> memref<16x768xf32, #tpu.memory_space<vmem>>
          %dma_start3A_1883 = arith.constant 0 : i32
          %dma_start3A_1884 = tpu.memref_slice %arg3[%mul3A_1878, %dma_start3A_1883] : memref<576x768xf32, #tpu.memory_space<hbm>> -> memref<16x768xf32, #tpu.memory_space<hbm>>
          %dma_start3A_1885 = tpu.memref_slice %run_scoped3A_9[%rem3A_1849] : memref<2x!tpu.dma_semaphore, #tpu.memory_space<semaphore_mem>> -> memref<1x!tpu.dma_semaphore, #tpu.memory_space<semaphore_mem>>
          %dma_start3A_1886 = tpu.memref_squeeze %dma_start3A_1885 : memref<1x!tpu.dma_semaphore, #tpu.memory_space<semaphore_mem>> -> memref<!tpu.dma_semaphore, #tpu.memory_space<semaphore_mem>>
          %dma_start3A_1887 = arith.constant 0 : i32
          %dma_start3A_1888 = arith.constant 0 : i32
          %dma_start3A_1889 = tpu.memref_slice %run_scoped3A_8[%rem3A_1849, %dma_start3A_1887, %dma_start3A_1888] : memref<2x16x768xf32, #tpu.memory_space<vmem>> -> memref<1x16x768xf32, #tpu.memory_space<vmem>>
          %dma_start3A_1890 = tpu.memref_squeeze %dma_start3A_1889 : memref<1x16x768xf32, #tpu.memory_space<vmem>> -> memref<16x768xf32, #tpu.memory_space<vmem>>
          %dma_start3A_1891 = arith.constant 0 : i32
          %dma_start3A_1892 = tpu.memref_slice %arg3[%mul3A_1878, %dma_start3A_1891] : memref<576x768xf32, #tpu.memory_space<hbm>> -> memref<16x768xf32, #tpu.memory_space<hbm>>
          tpu.enqueue_dma source(%dma_start3A_1892 : memref<16x768xf32, #tpu.memory_space<hbm>>) target(%dma_start3A_1890 : memref<16x768xf32, #tpu.memory_space<vmem>>) target_semaphore(%dma_start3A_1886 : memref<!tpu.dma_semaphore, #tpu.memory_space<semaphore_mem>>)
          "tpu.trace_stop"() : () -> ()
        } else {
        }
        %and3A_692 = arith.constant true
        %and3A_693 = arith.andi %and3A_688, %and3A_692 : i1
        %add3A_694 = arith.constant 1 : i32
        %add3A_695 = arith.addi %scan3A_413, %add3A_694 : i32
        %select_n3A_696 = arith.select %and3A_693, %add3A_695, %scan3A_413 : i32
        %jit3A_697 = arith.constant 8 : i32
        %eq3A_698 = arith.constant 0 : i32
        %eq3A_699 = arith.cmpi eq, %jit3A_697, %eq3A_698 : i32
        %jit3A_700 = arith.constant 1 : i32
        %select_n3A_701 = arith.select %eq3A_699, %jit3A_700, %jit3A_697 : i32
        %rem3A_702 = arith.remsi %add3A_425, %select_n3A_701 : i32
        %ne3A_703 = arith.constant 0 : i32
        %ne3A_704 = arith.cmpi ne, %rem3A_702, %ne3A_703 : i32
        %lt3A_705 = arith.constant 0 : i32
        %lt3A_706 = arith.cmpi slt, %rem3A_702, %lt3A_705 : i32
        %lt3A_707 = arith.constant 0 : i32
        %lt3A_708 = arith.cmpi slt, %select_n3A_701, %lt3A_707 : i32
        %ne3A_709 = arith.xori %lt3A_706, %lt3A_708 : i1
        %and3A_710 = arith.andi %ne3A_709, %ne3A_704 : i1
        %add3A_711 = arith.addi %rem3A_702, %select_n3A_701 : i32
        %select_n3A_712 = arith.select %and3A_710, %add3A_711, %rem3A_702 : i32
        %mul3A_713 = arith.constant 4 : i32
        %mul3A_714 = arith.muli %select_n3A_712, %mul3A_713 : i32
        %add3A_715 = arith.addi %mul3A_714, %add3A_429 : i32
        %jit3A_716 = arith.constant 8 : i32
        %div3A_717 = arith.divsi %add3A_425, %jit3A_716 : i32
        %sign3A_718 = arith.constant 0 : i32
        %sign3A_719 = arith.cmpi sgt, %add3A_425, %sign3A_718 : i32
        %sign3A_720 = arith.extui %sign3A_719 : i1 to i32
        %sign3A_721 = arith.constant 0 : i32
        %sign3A_722 = arith.cmpi slt, %add3A_425, %sign3A_721 : i32
        %sign3A_723 = arith.extui %sign3A_722 : i1 to i32
        %sign3A_724 = arith.subi %sign3A_720, %sign3A_723 : i32
        %sign3A_725 = arith.constant 0 : i32
        %sign3A_726 = arith.cmpi sgt, %jit3A_716, %sign3A_725 : i32
        %sign3A_727 = arith.extui %sign3A_726 : i1 to i32
        %sign3A_728 = arith.constant 0 : i32
        %sign3A_729 = arith.cmpi slt, %jit3A_716, %sign3A_728 : i32
        %sign3A_730 = arith.extui %sign3A_729 : i1 to i32
        %sign3A_731 = arith.subi %sign3A_727, %sign3A_730 : i32
        %ne3A_732 = arith.cmpi ne, %sign3A_724, %sign3A_731 : i32
        %rem3A_733 = arith.remsi %add3A_425, %jit3A_716 : i32
        %ne3A_734 = arith.constant 0 : i32
        %ne3A_735 = arith.cmpi ne, %rem3A_733, %ne3A_734 : i32
        %and3A_736 = arith.andi %ne3A_732, %ne3A_735 : i1
        %sub3A_737 = arith.constant 1 : i32
        %sub3A_738 = arith.subi %div3A_717, %sub3A_737 : i32
        %select_n3A_739 = arith.select %and3A_736, %sub3A_738, %div3A_717 : i32
        %mul3A_740 = arith.constant 9 : i32
        %mul3A_741 = arith.muli %select_n3A_739, %mul3A_740 : i32
        %add3A_742 = arith.addi %mul3A_741, %add3A_427 : i32
        %jit3A_743 = arith.constant 8 : i32
        %eq3A_744 = arith.constant 0 : i32
        %eq3A_745 = arith.cmpi eq, %jit3A_743, %eq3A_744 : i32
        %jit3A_746 = arith.constant 1 : i32
        %select_n3A_747 = arith.select %eq3A_745, %jit3A_746, %jit3A_743 : i32
        %rem3A_748 = arith.remsi %add3A_481, %select_n3A_747 : i32
        %ne3A_749 = arith.constant 0 : i32
        %ne3A_750 = arith.cmpi ne, %rem3A_748, %ne3A_749 : i32
        %lt3A_751 = arith.constant 0 : i32
        %lt3A_752 = arith.cmpi slt, %rem3A_748, %lt3A_751 : i32
        %lt3A_753 = arith.constant 0 : i32
        %lt3A_754 = arith.cmpi slt, %select_n3A_747, %lt3A_753 : i32
        %ne3A_755 = arith.xori %lt3A_752, %lt3A_754 : i1
        %and3A_756 = arith.andi %ne3A_755, %ne3A_750 : i1
        %add3A_757 = arith.addi %rem3A_748, %select_n3A_747 : i32
        %select_n3A_758 = arith.select %and3A_756, %add3A_757, %rem3A_748 : i32
        %mul3A_759 = arith.constant 4 : i32
        %mul3A_760 = arith.muli %select_n3A_758, %mul3A_759 : i32
        %add3A_761 = arith.addi %mul3A_760, %add3A_485 : i32
        %jit3A_762 = arith.constant 8 : i32
        %div3A_763 = arith.divsi %add3A_481, %jit3A_762 : i32
        %sign3A_764 = arith.constant 0 : i32
        %sign3A_765 = arith.cmpi sgt, %add3A_481, %sign3A_764 : i32
        %sign3A_766 = arith.extui %sign3A_765 : i1 to i32
        %sign3A_767 = arith.constant 0 : i32
        %sign3A_768 = arith.cmpi slt, %add3A_481, %sign3A_767 : i32
        %sign3A_769 = arith.extui %sign3A_768 : i1 to i32
        %sign3A_770 = arith.subi %sign3A_766, %sign3A_769 : i32
        %sign3A_771 = arith.constant 0 : i32
        %sign3A_772 = arith.cmpi sgt, %jit3A_762, %sign3A_771 : i32
        %sign3A_773 = arith.extui %sign3A_772 : i1 to i32
        %sign3A_774 = arith.constant 0 : i32
        %sign3A_775 = arith.cmpi slt, %jit3A_762, %sign3A_774 : i32
        %sign3A_776 = arith.extui %sign3A_775 : i1 to i32
        %sign3A_777 = arith.subi %sign3A_773, %sign3A_776 : i32
        %ne3A_778 = arith.cmpi ne, %sign3A_770, %sign3A_777 : i32
        %rem3A_779 = arith.remsi %add3A_481, %jit3A_762 : i32
        %ne3A_780 = arith.constant 0 : i32
        %ne3A_781 = arith.cmpi ne, %rem3A_779, %ne3A_780 : i32
        %and3A_782 = arith.andi %ne3A_778, %ne3A_781 : i1
        %sub3A_783 = arith.constant 1 : i32
        %sub3A_784 = arith.subi %div3A_763, %sub3A_783 : i32
        %select_n3A_785 = arith.select %and3A_782, %sub3A_784, %div3A_763 : i32
        %mul3A_786 = arith.constant 9 : i32
        %mul3A_787 = arith.muli %select_n3A_785, %mul3A_786 : i32
        %add3A_788 = arith.addi %mul3A_787, %add3A_483 : i32
        %ne3A_789 = arith.cmpi ne, %add3A_715, %add3A_761 : i32
        %ne3A_790 = arith.cmpi ne, %add3A_742, %add3A_788 : i32
        %or3A_791 = arith.constant false
        %or3A_792 = arith.ori %or3A_791, %ne3A_789 : i1
        %or3A_793 = arith.ori %or3A_792, %ne3A_790 : i1
        %or3A_794 = arith.constant false
        %or3A_795 = arith.ori %or3A_793, %or3A_794 : i1
        %ge3A_796 = arith.constant 35 : i32
        %ge3A_797 = arith.cmpi sge, %scan3A_410, %ge3A_796 : i32
        %not3A_798 = arith.constant true
        %not3A_799 = arith.xori %ge3A_797, %not3A_798 : i1
        %and3A_800 = arith.andi %or3A_795, %not3A_799 : i1
        %jit3A_801 = arith.constant 8 : i32
        %eq3A_802 = arith.constant 0 : i32
        %eq3A_803 = arith.cmpi eq, %jit3A_801, %eq3A_802 : i32
        %jit3A_804 = arith.constant 1 : i32
        %select_n3A_805 = arith.select %eq3A_803, %jit3A_804, %jit3A_801 : i32
        %rem3A_806 = arith.remsi %add3A_425, %select_n3A_805 : i32
        %ne3A_807 = arith.constant 0 : i32
        %ne3A_808 = arith.cmpi ne, %rem3A_806, %ne3A_807 : i32
        %lt3A_809 = arith.constant 0 : i32
        %lt3A_810 = arith.cmpi slt, %rem3A_806, %lt3A_809 : i32
        %lt3A_811 = arith.constant 0 : i32
        %lt3A_812 = arith.cmpi slt, %select_n3A_805, %lt3A_811 : i32
        %ne3A_813 = arith.xori %lt3A_810, %lt3A_812 : i1
        %and3A_814 = arith.andi %ne3A_813, %ne3A_808 : i1
        %add3A_815 = arith.addi %rem3A_806, %select_n3A_805 : i32
        %select_n3A_816 = arith.select %and3A_814, %add3A_815, %rem3A_806 : i32
        %mul3A_817 = arith.constant 4 : i32
        %mul3A_818 = arith.muli %select_n3A_816, %mul3A_817 : i32
        %add3A_819 = arith.constant 96 : i32
        %add3A_820 = arith.addi %add3A_819, %mul3A_818 : i32
        %add3A_821 = arith.addi %add3A_820, %add3A_429 : i32
        %jit3A_822 = arith.constant 8 : i32
        %div3A_823 = arith.divsi %add3A_425, %jit3A_822 : i32
        %sign3A_824 = arith.constant 0 : i32
        %sign3A_825 = arith.cmpi sgt, %add3A_425, %sign3A_824 : i32
        %sign3A_826 = arith.extui %sign3A_825 : i1 to i32
        %sign3A_827 = arith.constant 0 : i32
        %sign3A_828 = arith.cmpi slt, %add3A_425, %sign3A_827 : i32
        %sign3A_829 = arith.extui %sign3A_828 : i1 to i32
        %sign3A_830 = arith.subi %sign3A_826, %sign3A_829 : i32
        %sign3A_831 = arith.constant 0 : i32
        %sign3A_832 = arith.cmpi sgt, %jit3A_822, %sign3A_831 : i32
        %sign3A_833 = arith.extui %sign3A_832 : i1 to i32
        %sign3A_834 = arith.constant 0 : i32
        %sign3A_835 = arith.cmpi slt, %jit3A_822, %sign3A_834 : i32
        %sign3A_836 = arith.extui %sign3A_835 : i1 to i32
        %sign3A_837 = arith.subi %sign3A_833, %sign3A_836 : i32
        %ne3A_838 = arith.cmpi ne, %sign3A_830, %sign3A_837 : i32
        %rem3A_839 = arith.remsi %add3A_425, %jit3A_822 : i32
        %ne3A_840 = arith.constant 0 : i32
        %ne3A_841 = arith.cmpi ne, %rem3A_839, %ne3A_840 : i32
        %and3A_842 = arith.andi %ne3A_838, %ne3A_841 : i1
        %sub3A_843 = arith.constant 1 : i32
        %sub3A_844 = arith.subi %div3A_823, %sub3A_843 : i32
        %select_n3A_845 = arith.select %and3A_842, %sub3A_844, %div3A_823 : i32
        %mul3A_846 = arith.constant 9 : i32
        %mul3A_847 = arith.muli %select_n3A_845, %mul3A_846 : i32
        %add3A_848 = arith.addi %mul3A_847, %add3A_427 : i32
        %jit3A_849 = arith.constant 8 : i32
        %eq3A_850 = arith.constant 0 : i32
        %eq3A_851 = arith.cmpi eq, %jit3A_849, %eq3A_850 : i32
        %jit3A_852 = arith.constant 1 : i32
        %select_n3A_853 = arith.select %eq3A_851, %jit3A_852, %jit3A_849 : i32
        %rem3A_854 = arith.remsi %add3A_453, %select_n3A_853 : i32
        %ne3A_855 = arith.constant 0 : i32
        %ne3A_856 = arith.cmpi ne, %rem3A_854, %ne3A_855 : i32
        %lt3A_857 = arith.constant 0 : i32
        %lt3A_858 = arith.cmpi slt, %rem3A_854, %lt3A_857 : i32
        %lt3A_859 = arith.constant 0 : i32
        %lt3A_860 = arith.cmpi slt, %select_n3A_853, %lt3A_859 : i32
        %ne3A_861 = arith.xori %lt3A_858, %lt3A_860 : i1
        %and3A_862 = arith.andi %ne3A_861, %ne3A_856 : i1
        %add3A_863 = arith.addi %rem3A_854, %select_n3A_853 : i32
        %select_n3A_864 = arith.select %and3A_862, %add3A_863, %rem3A_854 : i32
        %mul3A_865 = arith.constant 4 : i32
        %mul3A_866 = arith.muli %select_n3A_864, %mul3A_865 : i32
        %add3A_867 = arith.constant 96 : i32
        %add3A_868 = arith.addi %add3A_867, %mul3A_866 : i32
        %add3A_869 = arith.addi %add3A_868, %add3A_457 : i32
        %jit3A_870 = arith.constant 8 : i32
        %div3A_871 = arith.divsi %add3A_453, %jit3A_870 : i32
        %sign3A_872 = arith.constant 0 : i32
        %sign3A_873 = arith.cmpi sgt, %add3A_453, %sign3A_872 : i32
        %sign3A_874 = arith.extui %sign3A_873 : i1 to i32
        %sign3A_875 = arith.constant 0 : i32
        %sign3A_876 = arith.cmpi slt, %add3A_453, %sign3A_875 : i32
        %sign3A_877 = arith.extui %sign3A_876 : i1 to i32
        %sign3A_878 = arith.subi %sign3A_874, %sign3A_877 : i32
        %sign3A_879 = arith.constant 0 : i32
        %sign3A_880 = arith.cmpi sgt, %jit3A_870, %sign3A_879 : i32
        %sign3A_881 = arith.extui %sign3A_880 : i1 to i32
        %sign3A_882 = arith.constant 0 : i32
        %sign3A_883 = arith.cmpi slt, %jit3A_870, %sign3A_882 : i32
        %sign3A_884 = arith.extui %sign3A_883 : i1 to i32
        %sign3A_885 = arith.subi %sign3A_881, %sign3A_884 : i32
        %ne3A_886 = arith.cmpi ne, %sign3A_878, %sign3A_885 : i32
        %rem3A_887 = arith.remsi %add3A_453, %jit3A_870 : i32
        %ne3A_888 = arith.constant 0 : i32
        %ne3A_889 = arith.cmpi ne, %rem3A_887, %ne3A_888 : i32
        %and3A_890 = arith.andi %ne3A_886, %ne3A_889 : i1
        %sub3A_891 = arith.constant 1 : i32
        %sub3A_892 = arith.subi %div3A_871, %sub3A_891 : i32
        %select_n3A_893 = arith.select %and3A_890, %sub3A_892, %div3A_871 : i32
        %mul3A_894 = arith.constant 9 : i32
        %mul3A_895 = arith.muli %select_n3A_893, %mul3A_894 : i32
        %add3A_896 = arith.addi %mul3A_895, %add3A_455 : i32
        %ne3A_897 = arith.cmpi ne, %add3A_821, %add3A_869 : i32
        %ne3A_898 = arith.cmpi ne, %add3A_848, %add3A_896 : i32
        %or3A_899 = arith.constant false
        %or3A_900 = arith.ori %or3A_899, %ne3A_897 : i1
        %or3A_901 = arith.ori %or3A_900, %ne3A_898 : i1
        %or3A_902 = arith.constant false
        %or3A_903 = arith.ori %or3A_901, %or3A_902 : i1
        %or3A_904 = arith.ori %or3A_903, %eq3A_421 : i1
        %convert_element_type3A_905 = arith.extui %or3A_904 : i1 to i32
        %cond3A_906 = arith.constant 0 : i32
        %cond3A_907 = arith.cmpi ne, %convert_element_type3A_905, %cond3A_906 : i32
        scf.if %cond3A_907 {
          %jit3A_1848 = arith.constant 8 : i32
          "tpu.trace_start"() <{level = 10 : i32, message = "ep_wait_in"}> : () -> ()
          %eq3A_1849 = arith.constant 0 : i32
          %eq3A_1850 = arith.cmpi eq, %jit3A_1848, %eq3A_1849 : i32
          %jit3A_1851 = arith.constant 1 : i32
          %select_n3A_1852 = arith.select %eq3A_1850, %jit3A_1851, %jit3A_1848 : i32
          %rem3A_1853 = arith.remsi %add3A_425, %select_n3A_1852 : i32
          %ne3A_1854 = arith.constant 0 : i32
          %ne3A_1855 = arith.cmpi ne, %rem3A_1853, %ne3A_1854 : i32
          %lt3A_1856 = arith.constant 0 : i32
          %lt3A_1857 = arith.cmpi slt, %rem3A_1853, %lt3A_1856 : i32
          %lt3A_1858 = arith.constant 0 : i32
          %lt3A_1859 = arith.cmpi slt, %select_n3A_1852, %lt3A_1858 : i32
          %ne3A_1860 = arith.xori %lt3A_1857, %lt3A_1859 : i1
          %and3A_1861 = arith.andi %ne3A_1860, %ne3A_1855 : i1
          %add3A_1862 = arith.addi %rem3A_1853, %select_n3A_1852 : i32
          %select_n3A_1863 = arith.select %and3A_1861, %add3A_1862, %rem3A_1853 : i32
          %mul3A_1864 = arith.constant 4 : i32
          %mul3A_1865 = arith.muli %select_n3A_1863, %mul3A_1864 : i32
          %add3A_1866 = arith.constant 96 : i32
          %add3A_1867 = arith.addi %add3A_1866, %mul3A_1865 : i32
          %add3A_1868 = arith.addi %add3A_1867, %add3A_429 : i32
          %jit3A_1869 = arith.constant 8 : i32
          %div3A_1870 = arith.divsi %add3A_425, %jit3A_1869 : i32
          %sign3A_1871 = arith.constant 0 : i32
          %sign3A_1872 = arith.cmpi sgt, %add3A_425, %sign3A_1871 : i32
          %sign3A_1873 = arith.extui %sign3A_1872 : i1 to i32
          %sign3A_1874 = arith.constant 0 : i32
          %sign3A_1875 = arith.cmpi slt, %add3A_425, %sign3A_1874 : i32
          %sign3A_1876 = arith.extui %sign3A_1875 : i1 to i32
          %sign3A_1877 = arith.subi %sign3A_1873, %sign3A_1876 : i32
          %sign3A_1878 = arith.constant 0 : i32
          %sign3A_1879 = arith.cmpi sgt, %jit3A_1869, %sign3A_1878 : i32
          %sign3A_1880 = arith.extui %sign3A_1879 : i1 to i32
          %sign3A_1881 = arith.constant 0 : i32
          %sign3A_1882 = arith.cmpi slt, %jit3A_1869, %sign3A_1881 : i32
          %sign3A_1883 = arith.extui %sign3A_1882 : i1 to i32
          %sign3A_1884 = arith.subi %sign3A_1880, %sign3A_1883 : i32
          %ne3A_1885 = arith.cmpi ne, %sign3A_1877, %sign3A_1884 : i32
          %rem3A_1886 = arith.remsi %add3A_425, %jit3A_1869 : i32
          %ne3A_1887 = arith.constant 0 : i32
          %ne3A_1888 = arith.cmpi ne, %rem3A_1886, %ne3A_1887 : i32
          %and3A_1889 = arith.andi %ne3A_1885, %ne3A_1888 : i1
          %sub3A_1890 = arith.constant 1 : i32
          %sub3A_1891 = arith.subi %div3A_1870, %sub3A_1890 : i32
          %select_n3A_1892 = arith.select %and3A_1889, %sub3A_1891, %div3A_1870 : i32
          %mul3A_1893 = arith.constant 9 : i32
          %mul3A_1894 = arith.muli %select_n3A_1892, %mul3A_1893 : i32
          %add3A_1895 = arith.addi %mul3A_1894, %add3A_427 : i32
          %mul3A_1896 = arith.constant 1 : i32
          %mul3A_1897 = arith.muli %mul3A_1896, %add3A_1868 : i32
          %mul3A_1898 = arith.constant 16 : i32
          %mul3A_1899 = arith.muli %mul3A_1898, %add3A_1895 : i32
          %rem3A_1900 = arith.constant 2 : i32
          %rem3A_1901 = arith.remui %scan3A_412, %rem3A_1900 : i32
          %dma_wait3A_1902 = arith.constant 0 : i32
          %dma_wait3A_1903 = arith.constant 0 : i32
          %dma_wait3A_1904 = arith.constant 0 : i32
          %dma_wait3A_1905 = tpu.memref_slice %run_scoped3A[%rem3A_1901, %dma_wait3A_1902, %dma_wait3A_1903, %dma_wait3A_1904] : memref<2x1x16x768xf32, #tpu.memory_space<vmem>> -> memref<1x1x16x768xf32, #tpu.memory_space<vmem>>
          %dma_wait3A_1906 = tpu.memref_squeeze %dma_wait3A_1905 : memref<1x1x16x768xf32, #tpu.memory_space<vmem>> -> memref<1x16x768xf32, #tpu.memory_space<vmem>>
          %dma_wait3A_1907 = arith.constant 0 : i32
          %dma_wait3A_1908 = tpu.memref_slice %arg2[%mul3A_1897, %mul3A_1899, %dma_wait3A_1907] : memref<128x576x768xf32, #tpu.memory_space<hbm>> -> memref<1x16x768xf32, #tpu.memory_space<hbm>>
          %dma_wait3A_1909 = tpu.memref_slice %run_scoped3A_7[%rem3A_1901] : memref<2x!tpu.dma_semaphore, #tpu.memory_space<semaphore_mem>> -> memref<1x!tpu.dma_semaphore, #tpu.memory_space<semaphore_mem>>
          %dma_wait3A_1910 = tpu.memref_squeeze %dma_wait3A_1909 : memref<1x!tpu.dma_semaphore, #tpu.memory_space<semaphore_mem>> -> memref<!tpu.dma_semaphore, #tpu.memory_space<semaphore_mem>>
          %dma_wait3A_1911 = arith.constant 0 : i32
          %dma_wait3A_1912 = arith.constant 0 : i32
          %dma_wait3A_1913 = arith.constant 0 : i32
          %dma_wait3A_1914 = tpu.memref_slice %run_scoped3A[%rem3A_1901, %dma_wait3A_1911, %dma_wait3A_1912, %dma_wait3A_1913] : memref<2x1x16x768xf32, #tpu.memory_space<vmem>> -> memref<1x1x16x768xf32, #tpu.memory_space<vmem>>
          %dma_wait3A_1915 = tpu.memref_squeeze %dma_wait3A_1914 : memref<1x1x16x768xf32, #tpu.memory_space<vmem>> -> memref<1x16x768xf32, #tpu.memory_space<vmem>>
          %dma_wait3A_1916 = arith.constant 0 : i32
          %dma_wait3A_1917 = tpu.memref_slice %arg2[%mul3A_1897, %mul3A_1899, %dma_wait3A_1916] : memref<128x576x768xf32, #tpu.memory_space<hbm>> -> memref<1x16x768xf32, #tpu.memory_space<hbm>>
          tpu.wait_dma2 semaphore(%dma_wait3A_1910 : memref<!tpu.dma_semaphore, #tpu.memory_space<semaphore_mem>>) src(%dma_wait3A_1917 : memref<1x16x768xf32, #tpu.memory_space<hbm>>) dst(%dma_wait3A_1915 : memref<1x16x768xf32, #tpu.memory_space<vmem>>)
          "tpu.trace_stop"() : () -> ()
        } else {
        }
        %jit3A_908 = arith.constant 8 : i32
        %div3A_909 = arith.divsi %add3A_425, %jit3A_908 : i32
        %sign3A_910 = arith.constant 0 : i32
        %sign3A_911 = arith.cmpi sgt, %add3A_425, %sign3A_910 : i32
        %sign3A_912 = arith.extui %sign3A_911 : i1 to i32
        %sign3A_913 = arith.constant 0 : i32
        %sign3A_914 = arith.cmpi slt, %add3A_425, %sign3A_913 : i32
        %sign3A_915 = arith.extui %sign3A_914 : i1 to i32
        %sign3A_916 = arith.subi %sign3A_912, %sign3A_915 : i32
        %sign3A_917 = arith.constant 0 : i32
        %sign3A_918 = arith.cmpi sgt, %jit3A_908, %sign3A_917 : i32
        %sign3A_919 = arith.extui %sign3A_918 : i1 to i32
        %sign3A_920 = arith.constant 0 : i32
        %sign3A_921 = arith.cmpi slt, %jit3A_908, %sign3A_920 : i32
        %sign3A_922 = arith.extui %sign3A_921 : i1 to i32
        %sign3A_923 = arith.subi %sign3A_919, %sign3A_922 : i32
        %ne3A_924 = arith.cmpi ne, %sign3A_916, %sign3A_923 : i32
        %rem3A_925 = arith.remsi %add3A_425, %jit3A_908 : i32
        %ne3A_926 = arith.constant 0 : i32
        %ne3A_927 = arith.cmpi ne, %rem3A_925, %ne3A_926 : i32
        %and3A_928 = arith.andi %ne3A_924, %ne3A_927 : i1
        %sub3A_929 = arith.constant 1 : i32
        %sub3A_930 = arith.subi %div3A_909, %sub3A_929 : i32
        %select_n3A_931 = arith.select %and3A_928, %sub3A_930, %div3A_909 : i32
        %mul3A_932 = arith.constant 9 : i32
        %mul3A_933 = arith.muli %select_n3A_931, %mul3A_932 : i32
        %add3A_934 = arith.addi %mul3A_933, %add3A_427 : i32
        %jit3A_935 = arith.constant 8 : i32
        %div3A_936 = arith.divsi %add3A_453, %jit3A_935 : i32
        %sign3A_937 = arith.constant 0 : i32
        %sign3A_938 = arith.cmpi sgt, %add3A_453, %sign3A_937 : i32
        %sign3A_939 = arith.extui %sign3A_938 : i1 to i32
        %sign3A_940 = arith.constant 0 : i32
        %sign3A_941 = arith.cmpi slt, %add3A_453, %sign3A_940 : i32
        %sign3A_942 = arith.extui %sign3A_941 : i1 to i32
        %sign3A_943 = arith.subi %sign3A_939, %sign3A_942 : i32
        %sign3A_944 = arith.constant 0 : i32
        %sign3A_945 = arith.cmpi sgt, %jit3A_935, %sign3A_944 : i32
        %sign3A_946 = arith.extui %sign3A_945 : i1 to i32
        %sign3A_947 = arith.constant 0 : i32
        %sign3A_948 = arith.cmpi slt, %jit3A_935, %sign3A_947 : i32
        %sign3A_949 = arith.extui %sign3A_948 : i1 to i32
        %sign3A_950 = arith.subi %sign3A_946, %sign3A_949 : i32
        %ne3A_951 = arith.cmpi ne, %sign3A_943, %sign3A_950 : i32
        %rem3A_952 = arith.remsi %add3A_453, %jit3A_935 : i32
        %ne3A_953 = arith.constant 0 : i32
        %ne3A_954 = arith.cmpi ne, %rem3A_952, %ne3A_953 : i32
        %and3A_955 = arith.andi %ne3A_951, %ne3A_954 : i1
        %sub3A_956 = arith.constant 1 : i32
        %sub3A_957 = arith.subi %div3A_936, %sub3A_956 : i32
        %select_n3A_958 = arith.select %and3A_955, %sub3A_957, %div3A_936 : i32
        %mul3A_959 = arith.constant 9 : i32
        %mul3A_960 = arith.muli %select_n3A_958, %mul3A_959 : i32
        %add3A_961 = arith.addi %mul3A_960, %add3A_455 : i32
        %ne3A_962 = arith.cmpi ne, %add3A_934, %add3A_961 : i32
        %or3A_963 = arith.constant false
        %or3A_964 = arith.ori %or3A_963, %ne3A_962 : i1
        %or3A_965 = arith.constant false
        %or3A_966 = arith.ori %or3A_964, %or3A_965 : i1
        %or3A_967 = arith.ori %or3A_966, %eq3A_421 : i1
        %convert_element_type3A_968 = arith.extui %or3A_967 : i1 to i32
        %cond3A_969 = arith.constant 0 : i32
        %cond3A_970 = arith.cmpi ne, %convert_element_type3A_968, %cond3A_969 : i32
        scf.if %cond3A_970 {
          %jit3A_1848 = arith.constant 8 : i32
          "tpu.trace_start"() <{level = 10 : i32, message = "ep_wait_in"}> : () -> ()
          %div3A_1849 = arith.divsi %add3A_425, %jit3A_1848 : i32
          %sign3A_1850 = arith.constant 0 : i32
          %sign3A_1851 = arith.cmpi sgt, %add3A_425, %sign3A_1850 : i32
          %sign3A_1852 = arith.extui %sign3A_1851 : i1 to i32
          %sign3A_1853 = arith.constant 0 : i32
          %sign3A_1854 = arith.cmpi slt, %add3A_425, %sign3A_1853 : i32
          %sign3A_1855 = arith.extui %sign3A_1854 : i1 to i32
          %sign3A_1856 = arith.subi %sign3A_1852, %sign3A_1855 : i32
          %sign3A_1857 = arith.constant 0 : i32
          %sign3A_1858 = arith.cmpi sgt, %jit3A_1848, %sign3A_1857 : i32
          %sign3A_1859 = arith.extui %sign3A_1858 : i1 to i32
          %sign3A_1860 = arith.constant 0 : i32
          %sign3A_1861 = arith.cmpi slt, %jit3A_1848, %sign3A_1860 : i32
          %sign3A_1862 = arith.extui %sign3A_1861 : i1 to i32
          %sign3A_1863 = arith.subi %sign3A_1859, %sign3A_1862 : i32
          %ne3A_1864 = arith.cmpi ne, %sign3A_1856, %sign3A_1863 : i32
          %rem3A_1865 = arith.remsi %add3A_425, %jit3A_1848 : i32
          %ne3A_1866 = arith.constant 0 : i32
          %ne3A_1867 = arith.cmpi ne, %rem3A_1865, %ne3A_1866 : i32
          %and3A_1868 = arith.andi %ne3A_1864, %ne3A_1867 : i1
          %sub3A_1869 = arith.constant 1 : i32
          %sub3A_1870 = arith.subi %div3A_1849, %sub3A_1869 : i32
          %select_n3A_1871 = arith.select %and3A_1868, %sub3A_1870, %div3A_1849 : i32
          %mul3A_1872 = arith.constant 9 : i32
          %mul3A_1873 = arith.muli %select_n3A_1871, %mul3A_1872 : i32
          %add3A_1874 = arith.addi %mul3A_1873, %add3A_427 : i32
          %mul3A_1875 = arith.constant 16 : i32
          %mul3A_1876 = arith.muli %mul3A_1875, %add3A_1874 : i32
          %rem3A_1877 = arith.constant 2 : i32
          %rem3A_1878 = arith.remui %scan3A_414, %rem3A_1877 : i32
          %dma_wait3A_1879 = arith.constant 0 : i32
          %dma_wait3A_1880 = arith.constant 0 : i32
          %dma_wait3A_1881 = tpu.memref_slice %run_scoped3A_8[%rem3A_1878, %dma_wait3A_1879, %dma_wait3A_1880] : memref<2x16x768xf32, #tpu.memory_space<vmem>> -> memref<1x16x768xf32, #tpu.memory_space<vmem>>
          %dma_wait3A_1882 = tpu.memref_squeeze %dma_wait3A_1881 : memref<1x16x768xf32, #tpu.memory_space<vmem>> -> memref<16x768xf32, #tpu.memory_space<vmem>>
          %dma_wait3A_1883 = arith.constant 0 : i32
          %dma_wait3A_1884 = tpu.memref_slice %arg3[%mul3A_1876, %dma_wait3A_1883] : memref<576x768xf32, #tpu.memory_space<hbm>> -> memref<16x768xf32, #tpu.memory_space<hbm>>
          %dma_wait3A_1885 = tpu.memref_slice %run_scoped3A_9[%rem3A_1878] : memref<2x!tpu.dma_semaphore, #tpu.memory_space<semaphore_mem>> -> memref<1x!tpu.dma_semaphore, #tpu.memory_space<semaphore_mem>>
          %dma_wait3A_1886 = tpu.memref_squeeze %dma_wait3A_1885 : memref<1x!tpu.dma_semaphore, #tpu.memory_space<semaphore_mem>> -> memref<!tpu.dma_semaphore, #tpu.memory_space<semaphore_mem>>
          %dma_wait3A_1887 = arith.constant 0 : i32
          %dma_wait3A_1888 = arith.constant 0 : i32
          %dma_wait3A_1889 = tpu.memref_slice %run_scoped3A_8[%rem3A_1878, %dma_wait3A_1887, %dma_wait3A_1888] : memref<2x16x768xf32, #tpu.memory_space<vmem>> -> memref<1x16x768xf32, #tpu.memory_space<vmem>>
          %dma_wait3A_1890 = tpu.memref_squeeze %dma_wait3A_1889 : memref<1x16x768xf32, #tpu.memory_space<vmem>> -> memref<16x768xf32, #tpu.memory_space<vmem>>
          %dma_wait3A_1891 = arith.constant 0 : i32
          %dma_wait3A_1892 = tpu.memref_slice %arg3[%mul3A_1876, %dma_wait3A_1891] : memref<576x768xf32, #tpu.memory_space<hbm>> -> memref<16x768xf32, #tpu.memory_space<hbm>>
          tpu.wait_dma2 semaphore(%dma_wait3A_1886 : memref<!tpu.dma_semaphore, #tpu.memory_space<semaphore_mem>>) src(%dma_wait3A_1892 : memref<16x768xf32, #tpu.memory_space<hbm>>) dst(%dma_wait3A_1890 : memref<16x768xf32, #tpu.memory_space<vmem>>)
          "tpu.trace_stop"() : () -> ()
        } else {
        }
        %jit3A_971 = arith.constant 8 : i32
        %eq3A_972 = arith.constant 0 : i32
        %eq3A_973 = arith.cmpi eq, %jit3A_971, %eq3A_972 : i32
        %jit3A_974 = arith.constant 1 : i32
        %select_n3A_975 = arith.select %eq3A_973, %jit3A_974, %jit3A_971 : i32
        %rem3A_976 = arith.remsi %add3A_425, %select_n3A_975 : i32
        %ne3A_977 = arith.constant 0 : i32
        %ne3A_978 = arith.cmpi ne, %rem3A_976, %ne3A_977 : i32
        %lt3A_979 = arith.constant 0 : i32
        %lt3A_980 = arith.cmpi slt, %rem3A_976, %lt3A_979 : i32
        %lt3A_981 = arith.constant 0 : i32
        %lt3A_982 = arith.cmpi slt, %select_n3A_975, %lt3A_981 : i32
        %ne3A_983 = arith.xori %lt3A_980, %lt3A_982 : i1
        %and3A_984 = arith.andi %ne3A_983, %ne3A_978 : i1
        %add3A_985 = arith.addi %rem3A_976, %select_n3A_975 : i32
        %select_n3A_986 = arith.select %and3A_984, %add3A_985, %rem3A_976 : i32
        %mul3A_987 = arith.constant 4 : i32
        %mul3A_988 = arith.muli %select_n3A_986, %mul3A_987 : i32
        %add3A_989 = arith.addi %mul3A_988, %add3A_429 : i32
        %jit3A_990 = arith.constant 8 : i32
        %div3A_991 = arith.divsi %add3A_425, %jit3A_990 : i32
        %sign3A_992 = arith.constant 0 : i32
        %sign3A_993 = arith.cmpi sgt, %add3A_425, %sign3A_992 : i32
        %sign3A_994 = arith.extui %sign3A_993 : i1 to i32
        %sign3A_995 = arith.constant 0 : i32
        %sign3A_996 = arith.cmpi slt, %add3A_425, %sign3A_995 : i32
        %sign3A_997 = arith.extui %sign3A_996 : i1 to i32
        %sign3A_998 = arith.subi %sign3A_994, %sign3A_997 : i32
        %sign3A_999 = arith.constant 0 : i32
        %sign3A_1000 = arith.cmpi sgt, %jit3A_990, %sign3A_999 : i32
        %sign3A_1001 = arith.extui %sign3A_1000 : i1 to i32
        %sign3A_1002 = arith.constant 0 : i32
        %sign3A_1003 = arith.cmpi slt, %jit3A_990, %sign3A_1002 : i32
        %sign3A_1004 = arith.extui %sign3A_1003 : i1 to i32
        %sign3A_1005 = arith.subi %sign3A_1001, %sign3A_1004 : i32
        %ne3A_1006 = arith.cmpi ne, %sign3A_998, %sign3A_1005 : i32
        %rem3A_1007 = arith.remsi %add3A_425, %jit3A_990 : i32
        %ne3A_1008 = arith.constant 0 : i32
        %ne3A_1009 = arith.cmpi ne, %rem3A_1007, %ne3A_1008 : i32
        %and3A_1010 = arith.andi %ne3A_1006, %ne3A_1009 : i1
        %sub3A_1011 = arith.constant 1 : i32
        %sub3A_1012 = arith.subi %div3A_991, %sub3A_1011 : i32
        %select_n3A_1013 = arith.select %and3A_1010, %sub3A_1012, %div3A_991 : i32
        %mul3A_1014 = arith.constant 9 : i32
        %mul3A_1015 = arith.muli %select_n3A_1013, %mul3A_1014 : i32
        %add3A_1016 = arith.addi %mul3A_1015, %add3A_427 : i32
        %jit3A_1017 = arith.constant 8 : i32
        %eq3A_1018 = arith.constant 0 : i32
        %eq3A_1019 = arith.cmpi eq, %jit3A_1017, %eq3A_1018 : i32
        %jit3A_1020 = arith.constant 1 : i32
        %select_n3A_1021 = arith.select %eq3A_1019, %jit3A_1020, %jit3A_1017 : i32
        %rem3A_1022 = arith.remsi %add3A_453, %select_n3A_1021 : i32
        %ne3A_1023 = arith.constant 0 : i32
        %ne3A_1024 = arith.cmpi ne, %rem3A_1022, %ne3A_1023 : i32
        %lt3A_1025 = arith.constant 0 : i32
        %lt3A_1026 = arith.cmpi slt, %rem3A_1022, %lt3A_1025 : i32
        %lt3A_1027 = arith.constant 0 : i32
        %lt3A_1028 = arith.cmpi slt, %select_n3A_1021, %lt3A_1027 : i32
        %ne3A_1029 = arith.xori %lt3A_1026, %lt3A_1028 : i1
        %and3A_1030 = arith.andi %ne3A_1029, %ne3A_1024 : i1
        %add3A_1031 = arith.addi %rem3A_1022, %select_n3A_1021 : i32
        %select_n3A_1032 = arith.select %and3A_1030, %add3A_1031, %rem3A_1022 : i32
        %mul3A_1033 = arith.constant 4 : i32
        %mul3A_1034 = arith.muli %select_n3A_1032, %mul3A_1033 : i32
        %add3A_1035 = arith.addi %mul3A_1034, %add3A_457 : i32
        %jit3A_1036 = arith.constant 8 : i32
        %div3A_1037 = arith.divsi %add3A_453, %jit3A_1036 : i32
        %sign3A_1038 = arith.constant 0 : i32
        %sign3A_1039 = arith.cmpi sgt, %add3A_453, %sign3A_1038 : i32
        %sign3A_1040 = arith.extui %sign3A_1039 : i1 to i32
        %sign3A_1041 = arith.constant 0 : i32
        %sign3A_1042 = arith.cmpi slt, %add3A_453, %sign3A_1041 : i32
        %sign3A_1043 = arith.extui %sign3A_1042 : i1 to i32
        %sign3A_1044 = arith.subi %sign3A_1040, %sign3A_1043 : i32
        %sign3A_1045 = arith.constant 0 : i32
        %sign3A_1046 = arith.cmpi sgt, %jit3A_1036, %sign3A_1045 : i32
        %sign3A_1047 = arith.extui %sign3A_1046 : i1 to i32
        %sign3A_1048 = arith.constant 0 : i32
        %sign3A_1049 = arith.cmpi slt, %jit3A_1036, %sign3A_1048 : i32
        %sign3A_1050 = arith.extui %sign3A_1049 : i1 to i32
        %sign3A_1051 = arith.subi %sign3A_1047, %sign3A_1050 : i32
        %ne3A_1052 = arith.cmpi ne, %sign3A_1044, %sign3A_1051 : i32
        %rem3A_1053 = arith.remsi %add3A_453, %jit3A_1036 : i32
        %ne3A_1054 = arith.constant 0 : i32
        %ne3A_1055 = arith.cmpi ne, %rem3A_1053, %ne3A_1054 : i32
        %and3A_1056 = arith.andi %ne3A_1052, %ne3A_1055 : i1
        %sub3A_1057 = arith.constant 1 : i32
        %sub3A_1058 = arith.subi %div3A_1037, %sub3A_1057 : i32
        %select_n3A_1059 = arith.select %and3A_1056, %sub3A_1058, %div3A_1037 : i32
        %mul3A_1060 = arith.constant 9 : i32
        %mul3A_1061 = arith.muli %select_n3A_1059, %mul3A_1060 : i32
        %add3A_1062 = arith.addi %mul3A_1061, %add3A_455 : i32
        %ne3A_1063 = arith.cmpi ne, %add3A_989, %add3A_1035 : i32
        %ne3A_1064 = arith.cmpi ne, %add3A_1016, %add3A_1062 : i32
        %or3A_1065 = arith.constant false
        %or3A_1066 = arith.ori %or3A_1065, %ne3A_1063 : i1
        %or3A_1067 = arith.ori %or3A_1066, %ne3A_1064 : i1
        %or3A_1068 = arith.constant false
        %or3A_1069 = arith.ori %or3A_1067, %or3A_1068 : i1
        %or3A_1070 = arith.ori %or3A_1069, %eq3A_421 : i1
        %convert_element_type3A_1071 = arith.extui %or3A_1070 : i1 to i32
        %cond3A_1072 = arith.constant 0 : i32
        %cond3A_1073 = arith.cmpi ne, %convert_element_type3A_1071, %cond3A_1072 : i32
        scf.if %cond3A_1073 {
        } else {
        }
        %rem3A_1074 = arith.constant 2 : i32
        %rem3A_1075 = arith.remui %scan3A_412, %rem3A_1074 : i32
        %rem3A_1076 = arith.constant 2 : i32
        %rem3A_1077 = arith.remui %scan3A_414, %rem3A_1076 : i32
        %rem3A_1078 = arith.constant 2 : i32
        %rem3A_1079 = arith.remui %scan3A_415, %rem3A_1078 : i32
        "tpu.trace_start"() <{level = 10 : i32, message = "ep_run_kernel"}> : () -> ()
        %scan3A_1080 = arith.constant 0 : i32
        %scan3A_1081 = arith.constant 16 : i32
        %scan3A_1082 = arith.addi %scan3A_1080, %scan3A_1081 : i32
        %scan3A_1083 = arith.constant 1 : i32
        scf.for %scan3A_1848 = %scan3A_1080 to %scan3A_1082 step %scan3A_1083  : i32 {
          %mul3A_1849 = arith.constant 1 : i32
          %mul3A_1850 = arith.muli %scan3A_1848, %mul3A_1849 : i32
          %add3A_1851 = arith.constant 0 : i32
          %add3A_1852 = arith.addi %add3A_1851, %mul3A_1850 : i32
          %scan3A_1853 = arith.constant 0 : i32
          %scan3A_1854 = arith.constant 48 : i32
          %scan3A_1855 = arith.addi %scan3A_1853, %scan3A_1854 : i32
          %scan3A_1856 = arith.constant 8 : i32
          scf.for %scan3A_1858 = %scan3A_1853 to %scan3A_1855 step %scan3A_1856  : i32 {
            %mul3A_1859 = arith.constant 16 : i32
            %mul3A_1860 = arith.muli %scan3A_1858, %mul3A_1859 : i32
            %add3A_1861 = arith.constant 0 : i32
            %add3A_1862 = arith.addi %add3A_1861, %mul3A_1860 : i32
            %get3A = arith.constant 0 : i32
            %get3A_1863 = arith.constant 0 : i32
            %get3A_1864 = arith.constant 0 : i32
            %get3A_1865 = arith.constant 0 : i32
            %get3A_1866 = tpu.memref_slice %run_scoped3A[%rem3A_1075, %get3A_1863, %get3A_1864, %get3A_1865] : memref<2x1x16x768xf32, #tpu.memory_space<vmem>> -> memref<1x1x16x768xf32, #tpu.memory_space<vmem>>
            %get3A_1867 = tpu.memref_squeeze %get3A_1866 : memref<1x1x16x768xf32, #tpu.memory_space<vmem>> -> memref<1x16x768xf32, #tpu.memory_space<vmem>>
            %get3A_1868 = arith.index_cast %get3A : i32 to index
            %get3A_1869 = arith.index_cast %add3A_1852 : i32 to index
            %get3A_1870 = arith.index_cast %add3A_1862 : i32 to index
            %get3A_1871 = tpu.vector_load %get3A_1867[%get3A_1868, %get3A_1869, %get3A_1870] {strides = array<i32>} : memref<1x16x768xf32, #tpu.memory_space<vmem>>, vector<1x1x16xf32>,
            %get3A_1872 = vector.shape_cast %get3A_1871 : vector<1x1x16xf32> to vector<16xf32>
            %get3A_1873 = arith.constant 0 : i32
            %get3A_1874 = arith.constant 0 : i32
            %get3A_1875 = tpu.memref_slice %run_scoped3A_8[%rem3A_1077, %get3A_1873, %get3A_1874] : memref<2x16x768xf32, #tpu.memory_space<vmem>> -> memref<1x16x768xf32, #tpu.memory_space<vmem>>
            %get3A_1876 = tpu.memref_squeeze %get3A_1875 : memref<1x16x768xf32, #tpu.memory_space<vmem>> -> memref<16x768xf32, #tpu.memory_space<vmem>>
            %get3A_1877 = arith.index_cast %add3A_1852 : i32 to index
            %get3A_1878 = arith.index_cast %add3A_1862 : i32 to index
            %get3A_1879 = tpu.vector_load %get3A_1876[%get3A_1877, %get3A_1878] {strides = array<i32>} : memref<16x768xf32, #tpu.memory_space<vmem>>, vector<1x16xf32>,
            %get3A_1880 = vector.shape_cast %get3A_1879 : vector<1x16xf32> to vector<16xf32>
            %add3A_1881 = arith.addf %get3A_1872, %get3A_1880 : vector<16xf32>
            %swap3A = arith.constant 0 : i32
            %swap3A_1882 = arith.constant 0 : i32
            %swap3A_1883 = arith.constant 0 : i32
            %swap3A_1884 = arith.constant 0 : i32
            %swap3A_1885 = tpu.memref_slice %run_scoped3A_10[%rem3A_1079, %swap3A_1882, %swap3A_1883, %swap3A_1884] : memref<2x1x16x768xf32, #tpu.memory_space<vmem>> -> memref<1x1x16x768xf32, #tpu.memory_space<vmem>>
            %swap3A_1886 = tpu.memref_squeeze %swap3A_1885 : memref<1x1x16x768xf32, #tpu.memory_space<vmem>> -> memref<1x16x768xf32, #tpu.memory_space<vmem>>
            %swap3A_1887 = arith.index_cast %swap3A : i32 to index
            %swap3A_1888 = arith.index_cast %add3A_1852 : i32 to index
            %swap3A_1889 = arith.index_cast %add3A_1862 : i32 to index
            %swap3A_1890 = tpu.vector_load %swap3A_1886[%swap3A_1887, %swap3A_1888, %swap3A_1889] {strides = array<i32>} : memref<1x16x768xf32, #tpu.memory_space<vmem>>, vector<1x1x16xf32>,
            %swap3A_1891 = vector.shape_cast %swap3A_1890 : vector<1x1x16xf32> to vector<16xf32>
            %swap3A_1892 = vector.shape_cast %add3A_1881 : vector<16xf32> to vector<1x1x16xf32>
            tpu.vector_store %swap3A_1886[%swap3A_1887, %swap3A_1888, %swap3A_1889], %swap3A_1892 {strides = array<i32>} : memref<1x16x768xf32, #tpu.memory_space<vmem>>, vector<1x1x16xf32>,
            %scan3A_1893 = arith.constant 1 : i32
            %scan3A_1894 = arith.addi %scan3A_1858, %scan3A_1893 : i32
            %mul3A_1895 = arith.constant 16 : i32
            %mul3A_1896 = arith.muli %scan3A_1894, %mul3A_1895 : i32
            %add3A_1897 = arith.constant 0 : i32
            %add3A_1898 = arith.addi %add3A_1897, %mul3A_1896 : i32
            %get3A_1899 = arith.constant 0 : i32
            %get3A_1900 = arith.constant 0 : i32
            %get3A_1901 = arith.constant 0 : i32
            %get3A_1902 = arith.constant 0 : i32
            %get3A_1903 = tpu.memref_slice %run_scoped3A[%rem3A_1075, %get3A_1900, %get3A_1901, %get3A_1902] : memref<2x1x16x768xf32, #tpu.memory_space<vmem>> -> memref<1x1x16x768xf32, #tpu.memory_space<vmem>>
            %get3A_1904 = tpu.memref_squeeze %get3A_1903 : memref<1x1x16x768xf32, #tpu.memory_space<vmem>> -> memref<1x16x768xf32, #tpu.memory_space<vmem>>
            %get3A_1905 = arith.index_cast %get3A_1899 : i32 to index
            %get3A_1906 = arith.index_cast %add3A_1852 : i32 to index
            %get3A_1907 = arith.index_cast %add3A_1898 : i32 to index
            %get3A_1908 = tpu.vector_load %get3A_1904[%get3A_1905, %get3A_1906, %get3A_1907] {strides = array<i32>} : memref<1x16x768xf32, #tpu.memory_space<vmem>>, vector<1x1x16xf32>,
            %get3A_1909 = vector.shape_cast %get3A_1908 : vector<1x1x16xf32> to vector<16xf32>
            %get3A_1910 = arith.constant 0 : i32
            %get3A_1911 = arith.constant 0 : i32
            %get3A_1912 = tpu.memref_slice %run_scoped3A_8[%rem3A_1077, %get3A_1910, %get3A_1911] : memref<2x16x768xf32, #tpu.memory_space<vmem>> -> memref<1x16x768xf32, #tpu.memory_space<vmem>>
            %get3A_1913 = tpu.memref_squeeze %get3A_1912 : memref<1x16x768xf32, #tpu.memory_space<vmem>> -> memref<16x768xf32, #tpu.memory_space<vmem>>
            %get3A_1914 = arith.index_cast %add3A_1852 : i32 to index
            %get3A_1915 = arith.index_cast %add3A_1898 : i32 to index
            %get3A_1916 = tpu.vector_load %get3A_1913[%get3A_1914, %get3A_1915] {strides = array<i32>} : memref<16x768xf32, #tpu.memory_space<vmem>>, vector<1x16xf32>,
            %get3A_1917 = vector.shape_cast %get3A_1916 : vector<1x16xf32> to vector<16xf32>
            %add3A_1918 = arith.addf %get3A_1909, %get3A_1917 : vector<16xf32>
            %swap3A_1919 = arith.constant 0 : i32
            %swap3A_1920 = arith.constant 0 : i32
            %swap3A_1921 = arith.constant 0 : i32
            %swap3A_1922 = arith.constant 0 : i32
            %swap3A_1923 = tpu.memref_slice %run_scoped3A_10[%rem3A_1079, %swap3A_1920, %swap3A_1921, %swap3A_1922] : memref<2x1x16x768xf32, #tpu.memory_space<vmem>> -> memref<1x1x16x768xf32, #tpu.memory_space<vmem>>
            %swap3A_1924 = tpu.memref_squeeze %swap3A_1923 : memref<1x1x16x768xf32, #tpu.memory_space<vmem>> -> memref<1x16x768xf32, #tpu.memory_space<vmem>>
            %swap3A_1925 = arith.index_cast %swap3A_1919 : i32 to index
            %swap3A_1926 = arith.index_cast %add3A_1852 : i32 to index
            %swap3A_1927 = arith.index_cast %add3A_1898 : i32 to index
            %swap3A_1928 = tpu.vector_load %swap3A_1924[%swap3A_1925, %swap3A_1926, %swap3A_1927] {strides = array<i32>} : memref<1x16x768xf32, #tpu.memory_space<vmem>>, vector<1x1x16xf32>,
            %swap3A_1929 = vector.shape_cast %swap3A_1928 : vector<1x1x16xf32> to vector<16xf32>
            %swap3A_1930 = vector.shape_cast %add3A_1918 : vector<16xf32> to vector<1x1x16xf32>
            tpu.vector_store %swap3A_1924[%swap3A_1925, %swap3A_1926, %swap3A_1927], %swap3A_1930 {strides = array<i32>} : memref<1x16x768xf32, #tpu.memory_space<vmem>>, vector<1x1x16xf32>,
            %scan3A_1931 = arith.constant 2 : i32
            %scan3A_1932 = arith.addi %scan3A_1858, %scan3A_1931 : i32
            %mul3A_1933 = arith.constant 16 : i32
            %mul3A_1934 = arith.muli %scan3A_1932, %mul3A_1933 : i32
            %add3A_1935 = arith.constant 0 : i32
            %add3A_1936 = arith.addi %add3A_1935, %mul3A_1934 : i32
            %get3A_1937 = arith.constant 0 : i32
            %get3A_1938 = arith.constant 0 : i32
            %get3A_1939 = arith.constant 0 : i32
            %get3A_1940 = arith.constant 0 : i32
            %get3A_1941 = tpu.memref_slice %run_scoped3A[%rem3A_1075, %get3A_1938, %get3A_1939, %get3A_1940] : memref<2x1x16x768xf32, #tpu.memory_space<vmem>> -> memref<1x1x16x768xf32, #tpu.memory_space<vmem>>
            %get3A_1942 = tpu.memref_squeeze %get3A_1941 : memref<1x1x16x768xf32, #tpu.memory_space<vmem>> -> memref<1x16x768xf32, #tpu.memory_space<vmem>>
            %get3A_1943 = arith.index_cast %get3A_1937 : i32 to index
            %get3A_1944 = arith.index_cast %add3A_1852 : i32 to index
            %get3A_1945 = arith.index_cast %add3A_1936 : i32 to index
            %get3A_1946 = tpu.vector_load %get3A_1942[%get3A_1943, %get3A_1944, %get3A_1945] {strides = array<i32>} : memref<1x16x768xf32, #tpu.memory_space<vmem>>, vector<1x1x16xf32>,
            %get3A_1947 = vector.shape_cast %get3A_1946 : vector<1x1x16xf32> to vector<16xf32>
            %get3A_1948 = arith.constant 0 : i32
            %get3A_1949 = arith.constant 0 : i32
            %get3A_1950 = tpu.memref_slice %run_scoped3A_8[%rem3A_1077, %get3A_1948, %get3A_1949] : memref<2x16x768xf32, #tpu.memory_space<vmem>> -> memref<1x16x768xf32, #tpu.memory_space<vmem>>
            %get3A_1951 = tpu.memref_squeeze %get3A_1950 : memref<1x16x768xf32, #tpu.memory_space<vmem>> -> memref<16x768xf32, #tpu.memory_space<vmem>>
            %get3A_1952 = arith.index_cast %add3A_1852 : i32 to index
            %get3A_1953 = arith.index_cast %add3A_1936 : i32 to index
            %get3A_1954 = tpu.vector_load %get3A_1951[%get3A_1952, %get3A_1953] {strides = array<i32>} : memref<16x768xf32, #tpu.memory_space<vmem>>, vector<1x16xf32>,
            %get3A_1955 = vector.shape_cast %get3A_1954 : vector<1x16xf32> to vector<16xf32>
            %add3A_1956 = arith.addf %get3A_1947, %get3A_1955 : vector<16xf32>
            %swap3A_1957 = arith.constant 0 : i32
            %swap3A_1958 = arith.constant 0 : i32
            %swap3A_1959 = arith.constant 0 : i32
            %swap3A_1960 = arith.constant 0 : i32
            %swap3A_1961 = tpu.memref_slice %run_scoped3A_10[%rem3A_1079, %swap3A_1958, %swap3A_1959, %swap3A_1960] : memref<2x1x16x768xf32, #tpu.memory_space<vmem>> -> memref<1x1x16x768xf32, #tpu.memory_space<vmem>>
            %swap3A_1962 = tpu.memref_squeeze %swap3A_1961 : memref<1x1x16x768xf32, #tpu.memory_space<vmem>> -> memref<1x16x768xf32, #tpu.memory_space<vmem>>
            %swap3A_1963 = arith.index_cast %swap3A_1957 : i32 to index
            %swap3A_1964 = arith.index_cast %add3A_1852 : i32 to index
            %swap3A_1965 = arith.index_cast %add3A_1936 : i32 to index
            %swap3A_1966 = tpu.vector_load %swap3A_1962[%swap3A_1963, %swap3A_1964, %swap3A_1965] {strides = array<i32>} : memref<1x16x768xf32, #tpu.memory_space<vmem>>, vector<1x1x16xf32>,
            %swap3A_1967 = vector.shape_cast %swap3A_1966 : vector<1x1x16xf32> to vector<16xf32>
            %swap3A_1968 = vector.shape_cast %add3A_1956 : vector<16xf32> to vector<1x1x16xf32>
            tpu.vector_store %swap3A_1962[%swap3A_1963, %swap3A_1964, %swap3A_1965], %swap3A_1968 {strides = array<i32>} : memref<1x16x768xf32, #tpu.memory_space<vmem>>, vector<1x1x16xf32>,
            %scan3A_1969 = arith.constant 3 : i32
            %scan3A_1970 = arith.addi %scan3A_1858, %scan3A_1969 : i32
            %mul3A_1971 = arith.constant 16 : i32
            %mul3A_1972 = arith.muli %scan3A_1970, %mul3A_1971 : i32
            %add3A_1973 = arith.constant 0 : i32
            %add3A_1974 = arith.addi %add3A_1973, %mul3A_1972 : i32
            %get3A_1975 = arith.constant 0 : i32
            %get3A_1976 = arith.constant 0 : i32
            %get3A_1977 = arith.constant 0 : i32
            %get3A_1978 = arith.constant 0 : i32
            %get3A_1979 = tpu.memref_slice %run_scoped3A[%rem3A_1075, %get3A_1976, %get3A_1977, %get3A_1978] : memref<2x1x16x768xf32, #tpu.memory_space<vmem>> -> memref<1x1x16x768xf32, #tpu.memory_space<vmem>>
            %get3A_1980 = tpu.memref_squeeze %get3A_1979 : memref<1x1x16x768xf32, #tpu.memory_space<vmem>> -> memref<1x16x768xf32, #tpu.memory_space<vmem>>
            %get3A_1981 = arith.index_cast %get3A_1975 : i32 to index
            %get3A_1982 = arith.index_cast %add3A_1852 : i32 to index
            %get3A_1983 = arith.index_cast %add3A_1974 : i32 to index
            %get3A_1984 = tpu.vector_load %get3A_1980[%get3A_1981, %get3A_1982, %get3A_1983] {strides = array<i32>} : memref<1x16x768xf32, #tpu.memory_space<vmem>>, vector<1x1x16xf32>,
            %get3A_1985 = vector.shape_cast %get3A_1984 : vector<1x1x16xf32> to vector<16xf32>
            %get3A_1986 = arith.constant 0 : i32
            %get3A_1987 = arith.constant 0 : i32
            %get3A_1988 = tpu.memref_slice %run_scoped3A_8[%rem3A_1077, %get3A_1986, %get3A_1987] : memref<2x16x768xf32, #tpu.memory_space<vmem>> -> memref<1x16x768xf32, #tpu.memory_space<vmem>>
            %get3A_1989 = tpu.memref_squeeze %get3A_1988 : memref<1x16x768xf32, #tpu.memory_space<vmem>> -> memref<16x768xf32, #tpu.memory_space<vmem>>
            %get3A_1990 = arith.index_cast %add3A_1852 : i32 to index
            %get3A_1991 = arith.index_cast %add3A_1974 : i32 to index
            %get3A_1992 = tpu.vector_load %get3A_1989[%get3A_1990, %get3A_1991] {strides = array<i32>} : memref<16x768xf32, #tpu.memory_space<vmem>>, vector<1x16xf32>,
            %get3A_1993 = vector.shape_cast %get3A_1992 : vector<1x16xf32> to vector<16xf32>
            %add3A_1994 = arith.addf %get3A_1985, %get3A_1993 : vector<16xf32>
            %swap3A_1995 = arith.constant 0 : i32
            %swap3A_1996 = arith.constant 0 : i32
            %swap3A_1997 = arith.constant 0 : i32
            %swap3A_1998 = arith.constant 0 : i32
            %swap3A_1999 = tpu.memref_slice %run_scoped3A_10[%rem3A_1079, %swap3A_1996, %swap3A_1997, %swap3A_1998] : memref<2x1x16x768xf32, #tpu.memory_space<vmem>> -> memref<1x1x16x768xf32, #tpu.memory_space<vmem>>
            %swap3A_2000 = tpu.memref_squeeze %swap3A_1999 : memref<1x1x16x768xf32, #tpu.memory_space<vmem>> -> memref<1x16x768xf32, #tpu.memory_space<vmem>>
            %swap3A_2001 = arith.index_cast %swap3A_1995 : i32 to index
            %swap3A_2002 = arith.index_cast %add3A_1852 : i32 to index
            %swap3A_2003 = arith.index_cast %add3A_1974 : i32 to index
            %swap3A_2004 = tpu.vector_load %swap3A_2000[%swap3A_2001, %swap3A_2002, %swap3A_2003] {strides = array<i32>} : memref<1x16x768xf32, #tpu.memory_space<vmem>>, vector<1x1x16xf32>,
            %swap3A_2005 = vector.shape_cast %swap3A_2004 : vector<1x1x16xf32> to vector<16xf32>
            %swap3A_2006 = vector.shape_cast %add3A_1994 : vector<16xf32> to vector<1x1x16xf32>
            tpu.vector_store %swap3A_2000[%swap3A_2001, %swap3A_2002, %swap3A_2003], %swap3A_2006 {strides = array<i32>} : memref<1x16x768xf32, #tpu.memory_space<vmem>>, vector<1x1x16xf32>,
            %scan3A_2007 = arith.constant 4 : i32
            %scan3A_2008 = arith.addi %scan3A_1858, %scan3A_2007 : i32
            %mul3A_2009 = arith.constant 16 : i32
            %mul3A_2010 = arith.muli %scan3A_2008, %mul3A_2009 : i32
            %add3A_2011 = arith.constant 0 : i32
            %add3A_2012 = arith.addi %add3A_2011, %mul3A_2010 : i32
            %get3A_2013 = arith.constant 0 : i32
            %get3A_2014 = arith.constant 0 : i32
            %get3A_2015 = arith.constant 0 : i32
            %get3A_2016 = arith.constant 0 : i32
            %get3A_2017 = tpu.memref_slice %run_scoped3A[%rem3A_1075, %get3A_2014, %get3A_2015, %get3A_2016] : memref<2x1x16x768xf32, #tpu.memory_space<vmem>> -> memref<1x1x16x768xf32, #tpu.memory_space<vmem>>
            %get3A_2018 = tpu.memref_squeeze %get3A_2017 : memref<1x1x16x768xf32, #tpu.memory_space<vmem>> -> memref<1x16x768xf32, #tpu.memory_space<vmem>>
            %get3A_2019 = arith.index_cast %get3A_2013 : i32 to index
            %get3A_2020 = arith.index_cast %add3A_1852 : i32 to index
            %get3A_2021 = arith.index_cast %add3A_2012 : i32 to index
            %get3A_2022 = tpu.vector_load %get3A_2018[%get3A_2019, %get3A_2020, %get3A_2021] {strides = array<i32>} : memref<1x16x768xf32, #tpu.memory_space<vmem>>, vector<1x1x16xf32>,
            %get3A_2023 = vector.shape_cast %get3A_2022 : vector<1x1x16xf32> to vector<16xf32>
            %get3A_2024 = arith.constant 0 : i32
            %get3A_2025 = arith.constant 0 : i32
            %get3A_2026 = tpu.memref_slice %run_scoped3A_8[%rem3A_1077, %get3A_2024, %get3A_2025] : memref<2x16x768xf32, #tpu.memory_space<vmem>> -> memref<1x16x768xf32, #tpu.memory_space<vmem>>
            %get3A_2027 = tpu.memref_squeeze %get3A_2026 : memref<1x16x768xf32, #tpu.memory_space<vmem>> -> memref<16x768xf32, #tpu.memory_space<vmem>>
            %get3A_2028 = arith.index_cast %add3A_1852 : i32 to index
            %get3A_2029 = arith.index_cast %add3A_2012 : i32 to index
            %get3A_2030 = tpu.vector_load %get3A_2027[%get3A_2028, %get3A_2029] {strides = array<i32>} : memref<16x768xf32, #tpu.memory_space<vmem>>, vector<1x16xf32>,
            %get3A_2031 = vector.shape_cast %get3A_2030 : vector<1x16xf32> to vector<16xf32>
            %add3A_2032 = arith.addf %get3A_2023, %get3A_2031 : vector<16xf32>
            %swap3A_2033 = arith.constant 0 : i32
            %swap3A_2034 = arith.constant 0 : i32
            %swap3A_2035 = arith.constant 0 : i32
            %swap3A_2036 = arith.constant 0 : i32
            %swap3A_2037 = tpu.memref_slice %run_scoped3A_10[%rem3A_1079, %swap3A_2034, %swap3A_2035, %swap3A_2036] : memref<2x1x16x768xf32, #tpu.memory_space<vmem>> -> memref<1x1x16x768xf32, #tpu.memory_space<vmem>>
            %swap3A_2038 = tpu.memref_squeeze %swap3A_2037 : memref<1x1x16x768xf32, #tpu.memory_space<vmem>> -> memref<1x16x768xf32, #tpu.memory_space<vmem>>
            %swap3A_2039 = arith.index_cast %swap3A_2033 : i32 to index
            %swap3A_2040 = arith.index_cast %add3A_1852 : i32 to index
            %swap3A_2041 = arith.index_cast %add3A_2012 : i32 to index
            %swap3A_2042 = tpu.vector_load %swap3A_2038[%swap3A_2039, %swap3A_2040, %swap3A_2041] {strides = array<i32>} : memref<1x16x768xf32, #tpu.memory_space<vmem>>, vector<1x1x16xf32>,
            %swap3A_2043 = vector.shape_cast %swap3A_2042 : vector<1x1x16xf32> to vector<16xf32>
            %swap3A_2044 = vector.shape_cast %add3A_2032 : vector<16xf32> to vector<1x1x16xf32>
            tpu.vector_store %swap3A_2038[%swap3A_2039, %swap3A_2040, %swap3A_2041], %swap3A_2044 {strides = array<i32>} : memref<1x16x768xf32, #tpu.memory_space<vmem>>, vector<1x1x16xf32>,
            %scan3A_2045 = arith.constant 5 : i32
            %scan3A_2046 = arith.addi %scan3A_1858, %scan3A_2045 : i32
            %mul3A_2047 = arith.constant 16 : i32
            %mul3A_2048 = arith.muli %scan3A_2046, %mul3A_2047 : i32
            %add3A_2049 = arith.constant 0 : i32
            %add3A_2050 = arith.addi %add3A_2049, %mul3A_2048 : i32
            %get3A_2051 = arith.constant 0 : i32
            %get3A_2052 = arith.constant 0 : i32
            %get3A_2053 = arith.constant 0 : i32
            %get3A_2054 = arith.constant 0 : i32
            %get3A_2055 = tpu.memref_slice %run_scoped3A[%rem3A_1075, %get3A_2052, %get3A_2053, %get3A_2054] : memref<2x1x16x768xf32, #tpu.memory_space<vmem>> -> memref<1x1x16x768xf32, #tpu.memory_space<vmem>>
            %get3A_2056 = tpu.memref_squeeze %get3A_2055 : memref<1x1x16x768xf32, #tpu.memory_space<vmem>> -> memref<1x16x768xf32, #tpu.memory_space<vmem>>
            %get3A_2057 = arith.index_cast %get3A_2051 : i32 to index
            %get3A_2058 = arith.index_cast %add3A_1852 : i32 to index
            %get3A_2059 = arith.index_cast %add3A_2050 : i32 to index
            %get3A_2060 = tpu.vector_load %get3A_2056[%get3A_2057, %get3A_2058, %get3A_2059] {strides = array<i32>} : memref<1x16x768xf32, #tpu.memory_space<vmem>>, vector<1x1x16xf32>,
            %get3A_2061 = vector.shape_cast %get3A_2060 : vector<1x1x16xf32> to vector<16xf32>
            %get3A_2062 = arith.constant 0 : i32
            %get3A_2063 = arith.constant 0 : i32
            %get3A_2064 = tpu.memref_slice %run_scoped3A_8[%rem3A_1077, %get3A_2062, %get3A_2063] : memref<2x16x768xf32, #tpu.memory_space<vmem>> -> memref<1x16x768xf32, #tpu.memory_space<vmem>>
            %get3A_2065 = tpu.memref_squeeze %get3A_2064 : memref<1x16x768xf32, #tpu.memory_space<vmem>> -> memref<16x768xf32, #tpu.memory_space<vmem>>
            %get3A_2066 = arith.index_cast %add3A_1852 : i32 to index
            %get3A_2067 = arith.index_cast %add3A_2050 : i32 to index
            %get3A_2068 = tpu.vector_load %get3A_2065[%get3A_2066, %get3A_2067] {strides = array<i32>} : memref<16x768xf32, #tpu.memory_space<vmem>>, vector<1x16xf32>,
            %get3A_2069 = vector.shape_cast %get3A_2068 : vector<1x16xf32> to vector<16xf32>
            %add3A_2070 = arith.addf %get3A_2061, %get3A_2069 : vector<16xf32>
            %swap3A_2071 = arith.constant 0 : i32
            %swap3A_2072 = arith.constant 0 : i32
            %swap3A_2073 = arith.constant 0 : i32
            %swap3A_2074 = arith.constant 0 : i32
            %swap3A_2075 = tpu.memref_slice %run_scoped3A_10[%rem3A_1079, %swap3A_2072, %swap3A_2073, %swap3A_2074] : memref<2x1x16x768xf32, #tpu.memory_space<vmem>> -> memref<1x1x16x768xf32, #tpu.memory_space<vmem>>
            %swap3A_2076 = tpu.memref_squeeze %swap3A_2075 : memref<1x1x16x768xf32, #tpu.memory_space<vmem>> -> memref<1x16x768xf32, #tpu.memory_space<vmem>>
            %swap3A_2077 = arith.index_cast %swap3A_2071 : i32 to index
            %swap3A_2078 = arith.index_cast %add3A_1852 : i32 to index
            %swap3A_2079 = arith.index_cast %add3A_2050 : i32 to index
            %swap3A_2080 = tpu.vector_load %swap3A_2076[%swap3A_2077, %swap3A_2078, %swap3A_2079] {strides = array<i32>} : memref<1x16x768xf32, #tpu.memory_space<vmem>>, vector<1x1x16xf32>,
            %swap3A_2081 = vector.shape_cast %swap3A_2080 : vector<1x1x16xf32> to vector<16xf32>
            %swap3A_2082 = vector.shape_cast %add3A_2070 : vector<16xf32> to vector<1x1x16xf32>
            tpu.vector_store %swap3A_2076[%swap3A_2077, %swap3A_2078, %swap3A_2079], %swap3A_2082 {strides = array<i32>} : memref<1x16x768xf32, #tpu.memory_space<vmem>>, vector<1x1x16xf32>,
            %scan3A_2083 = arith.constant 6 : i32
            %scan3A_2084 = arith.addi %scan3A_1858, %scan3A_2083 : i32
            %mul3A_2085 = arith.constant 16 : i32
            %mul3A_2086 = arith.muli %scan3A_2084, %mul3A_2085 : i32
            %add3A_2087 = arith.constant 0 : i32
            %add3A_2088 = arith.addi %add3A_2087, %mul3A_2086 : i32
            %get3A_2089 = arith.constant 0 : i32
            %get3A_2090 = arith.constant 0 : i32
            %get3A_2091 = arith.constant 0 : i32
            %get3A_2092 = arith.constant 0 : i32
            %get3A_2093 = tpu.memref_slice %run_scoped3A[%rem3A_1075, %get3A_2090, %get3A_2091, %get3A_2092] : memref<2x1x16x768xf32, #tpu.memory_space<vmem>> -> memref<1x1x16x768xf32, #tpu.memory_space<vmem>>
            %get3A_2094 = tpu.memref_squeeze %get3A_2093 : memref<1x1x16x768xf32, #tpu.memory_space<vmem>> -> memref<1x16x768xf32, #tpu.memory_space<vmem>>
            %get3A_2095 = arith.index_cast %get3A_2089 : i32 to index
            %get3A_2096 = arith.index_cast %add3A_1852 : i32 to index
            %get3A_2097 = arith.index_cast %add3A_2088 : i32 to index
            %get3A_2098 = tpu.vector_load %get3A_2094[%get3A_2095, %get3A_2096, %get3A_2097] {strides = array<i32>} : memref<1x16x768xf32, #tpu.memory_space<vmem>>, vector<1x1x16xf32>,
            %get3A_2099 = vector.shape_cast %get3A_2098 : vector<1x1x16xf32> to vector<16xf32>
            %get3A_2100 = arith.constant 0 : i32
            %get3A_2101 = arith.constant 0 : i32
            %get3A_2102 = tpu.memref_slice %run_scoped3A_8[%rem3A_1077, %get3A_2100, %get3A_2101] : memref<2x16x768xf32, #tpu.memory_space<vmem>> -> memref<1x16x768xf32, #tpu.memory_space<vmem>>
            %get3A_2103 = tpu.memref_squeeze %get3A_2102 : memref<1x16x768xf32, #tpu.memory_space<vmem>> -> memref<16x768xf32, #tpu.memory_space<vmem>>
            %get3A_2104 = arith.index_cast %add3A_1852 : i32 to index
            %get3A_2105 = arith.index_cast %add3A_2088 : i32 to index
            %get3A_2106 = tpu.vector_load %get3A_2103[%get3A_2104, %get3A_2105] {strides = array<i32>} : memref<16x768xf32, #tpu.memory_space<vmem>>, vector<1x16xf32>,
            %get3A_2107 = vector.shape_cast %get3A_2106 : vector<1x16xf32> to vector<16xf32>
            %add3A_2108 = arith.addf %get3A_2099, %get3A_2107 : vector<16xf32>
            %swap3A_2109 = arith.constant 0 : i32
            %swap3A_2110 = arith.constant 0 : i32
            %swap3A_2111 = arith.constant 0 : i32
            %swap3A_2112 = arith.constant 0 : i32
            %swap3A_2113 = tpu.memref_slice %run_scoped3A_10[%rem3A_1079, %swap3A_2110, %swap3A_2111, %swap3A_2112] : memref<2x1x16x768xf32, #tpu.memory_space<vmem>> -> memref<1x1x16x768xf32, #tpu.memory_space<vmem>>
            %swap3A_2114 = tpu.memref_squeeze %swap3A_2113 : memref<1x1x16x768xf32, #tpu.memory_space<vmem>> -> memref<1x16x768xf32, #tpu.memory_space<vmem>>
            %swap3A_2115 = arith.index_cast %swap3A_2109 : i32 to index
            %swap3A_2116 = arith.index_cast %add3A_1852 : i32 to index
            %swap3A_2117 = arith.index_cast %add3A_2088 : i32 to index
            %swap3A_2118 = tpu.vector_load %swap3A_2114[%swap3A_2115, %swap3A_2116, %swap3A_2117] {strides = array<i32>} : memref<1x16x768xf32, #tpu.memory_space<vmem>>, vector<1x1x16xf32>,
            %swap3A_2119 = vector.shape_cast %swap3A_2118 : vector<1x1x16xf32> to vector<16xf32>
            %swap3A_2120 = vector.shape_cast %add3A_2108 : vector<16xf32> to vector<1x1x16xf32>
            tpu.vector_store %swap3A_2114[%swap3A_2115, %swap3A_2116, %swap3A_2117], %swap3A_2120 {strides = array<i32>} : memref<1x16x768xf32, #tpu.memory_space<vmem>>, vector<1x1x16xf32>,
            %scan3A_2121 = arith.constant 7 : i32
            %scan3A_2122 = arith.addi %scan3A_1858, %scan3A_2121 : i32
            %mul3A_2123 = arith.constant 16 : i32
            %mul3A_2124 = arith.muli %scan3A_2122, %mul3A_2123 : i32
            %add3A_2125 = arith.constant 0 : i32
            %add3A_2126 = arith.addi %add3A_2125, %mul3A_2124 : i32
            %get3A_2127 = arith.constant 0 : i32
            %get3A_2128 = arith.constant 0 : i32
            %get3A_2129 = arith.constant 0 : i32
            %get3A_2130 = arith.constant 0 : i32
            %get3A_2131 = tpu.memref_slice %run_scoped3A[%rem3A_1075, %get3A_2128, %get3A_2129, %get3A_2130] : memref<2x1x16x768xf32, #tpu.memory_space<vmem>> -> memref<1x1x16x768xf32, #tpu.memory_space<vmem>>
            %get3A_2132 = tpu.memref_squeeze %get3A_2131 : memref<1x1x16x768xf32, #tpu.memory_space<vmem>> -> memref<1x16x768xf32, #tpu.memory_space<vmem>>
            %get3A_2133 = arith.index_cast %get3A_2127 : i32 to index
            %get3A_2134 = arith.index_cast %add3A_1852 : i32 to index
            %get3A_2135 = arith.index_cast %add3A_2126 : i32 to index
            %get3A_2136 = tpu.vector_load %get3A_2132[%get3A_2133, %get3A_2134, %get3A_2135] {strides = array<i32>} : memref<1x16x768xf32, #tpu.memory_space<vmem>>, vector<1x1x16xf32>,
            %get3A_2137 = vector.shape_cast %get3A_2136 : vector<1x1x16xf32> to vector<16xf32>
            %get3A_2138 = arith.constant 0 : i32
            %get3A_2139 = arith.constant 0 : i32
            %get3A_2140 = tpu.memref_slice %run_scoped3A_8[%rem3A_1077, %get3A_2138, %get3A_2139] : memref<2x16x768xf32, #tpu.memory_space<vmem>> -> memref<1x16x768xf32, #tpu.memory_space<vmem>>
            %get3A_2141 = tpu.memref_squeeze %get3A_2140 : memref<1x16x768xf32, #tpu.memory_space<vmem>> -> memref<16x768xf32, #tpu.memory_space<vmem>>
            %get3A_2142 = arith.index_cast %add3A_1852 : i32 to index
            %get3A_2143 = arith.index_cast %add3A_2126 : i32 to index
            %get3A_2144 = tpu.vector_load %get3A_2141[%get3A_2142, %get3A_2143] {strides = array<i32>} : memref<16x768xf32, #tpu.memory_space<vmem>>, vector<1x16xf32>,
            %get3A_2145 = vector.shape_cast %get3A_2144 : vector<1x16xf32> to vector<16xf32>
            %add3A_2146 = arith.addf %get3A_2137, %get3A_2145 : vector<16xf32>
            %swap3A_2147 = arith.constant 0 : i32
            %swap3A_2148 = arith.constant 0 : i32
            %swap3A_2149 = arith.constant 0 : i32
            %swap3A_2150 = arith.constant 0 : i32
            %swap3A_2151 = tpu.memref_slice %run_scoped3A_10[%rem3A_1079, %swap3A_2148, %swap3A_2149, %swap3A_2150] : memref<2x1x16x768xf32, #tpu.memory_space<vmem>> -> memref<1x1x16x768xf32, #tpu.memory_space<vmem>>
            %swap3A_2152 = tpu.memref_squeeze %swap3A_2151 : memref<1x1x16x768xf32, #tpu.memory_space<vmem>> -> memref<1x16x768xf32, #tpu.memory_space<vmem>>
            %swap3A_2153 = arith.index_cast %swap3A_2147 : i32 to index
            %swap3A_2154 = arith.index_cast %add3A_1852 : i32 to index
            %swap3A_2155 = arith.index_cast %add3A_2126 : i32 to index
            %swap3A_2156 = tpu.vector_load %swap3A_2152[%swap3A_2153, %swap3A_2154, %swap3A_2155] {strides = array<i32>} : memref<1x16x768xf32, #tpu.memory_space<vmem>>, vector<1x1x16xf32>,
            %swap3A_2157 = vector.shape_cast %swap3A_2156 : vector<1x1x16xf32> to vector<16xf32>
            %swap3A_2158 = vector.shape_cast %add3A_2146 : vector<16xf32> to vector<1x1x16xf32>
            tpu.vector_store %swap3A_2152[%swap3A_2153, %swap3A_2154, %swap3A_2155], %swap3A_2158 {strides = array<i32>} : memref<1x16x768xf32, #tpu.memory_space<vmem>>, vector<1x1x16xf32>,
          }
          %scan3A_1857 = arith.constant 48 : i32
        }
        %scan3A_1084 = arith.constant 16 : i32
        %jit3A_1085 = arith.constant 8 : i32
        "tpu.trace_stop"() : () -> ()
        %eq3A_1086 = arith.constant 0 : i32
        %eq3A_1087 = arith.cmpi eq, %jit3A_1085, %eq3A_1086 : i32
        %jit3A_1088 = arith.constant 1 : i32
        %select_n3A_1089 = arith.select %eq3A_1087, %jit3A_1088, %jit3A_1085 : i32
        %rem3A_1090 = arith.remsi %add3A_425, %select_n3A_1089 : i32
        %ne3A_1091 = arith.constant 0 : i32
        %ne3A_1092 = arith.cmpi ne, %rem3A_1090, %ne3A_1091 : i32
        %lt3A_1093 = arith.constant 0 : i32
        %lt3A_1094 = arith.cmpi slt, %rem3A_1090, %lt3A_1093 : i32
        %lt3A_1095 = arith.constant 0 : i32
        %lt3A_1096 = arith.cmpi slt, %select_n3A_1089, %lt3A_1095 : i32
        %ne3A_1097 = arith.xori %lt3A_1094, %lt3A_1096 : i1
        %and3A_1098 = arith.andi %ne3A_1097, %ne3A_1092 : i1
        %add3A_1099 = arith.addi %rem3A_1090, %select_n3A_1089 : i32
        %select_n3A_1100 = arith.select %and3A_1098, %add3A_1099, %rem3A_1090 : i32
        %mul3A_1101 = arith.constant 4 : i32
        %mul3A_1102 = arith.muli %select_n3A_1100, %mul3A_1101 : i32
        %add3A_1103 = arith.constant 96 : i32
        %add3A_1104 = arith.addi %add3A_1103, %mul3A_1102 : i32
        %add3A_1105 = arith.addi %add3A_1104, %add3A_429 : i32
        %jit3A_1106 = arith.constant 8 : i32
        %div3A_1107 = arith.divsi %add3A_425, %jit3A_1106 : i32
        %sign3A_1108 = arith.constant 0 : i32
        %sign3A_1109 = arith.cmpi sgt, %add3A_425, %sign3A_1108 : i32
        %sign3A_1110 = arith.extui %sign3A_1109 : i1 to i32
        %sign3A_1111 = arith.constant 0 : i32
        %sign3A_1112 = arith.cmpi slt, %add3A_425, %sign3A_1111 : i32
        %sign3A_1113 = arith.extui %sign3A_1112 : i1 to i32
        %sign3A_1114 = arith.subi %sign3A_1110, %sign3A_1113 : i32
        %sign3A_1115 = arith.constant 0 : i32
        %sign3A_1116 = arith.cmpi sgt, %jit3A_1106, %sign3A_1115 : i32
        %sign3A_1117 = arith.extui %sign3A_1116 : i1 to i32
        %sign3A_1118 = arith.constant 0 : i32
        %sign3A_1119 = arith.cmpi slt, %jit3A_1106, %sign3A_1118 : i32
        %sign3A_1120 = arith.extui %sign3A_1119 : i1 to i32
        %sign3A_1121 = arith.subi %sign3A_1117, %sign3A_1120 : i32
        %ne3A_1122 = arith.cmpi ne, %sign3A_1114, %sign3A_1121 : i32
        %rem3A_1123 = arith.remsi %add3A_425, %jit3A_1106 : i32
        %ne3A_1124 = arith.constant 0 : i32
        %ne3A_1125 = arith.cmpi ne, %rem3A_1123, %ne3A_1124 : i32
        %and3A_1126 = arith.andi %ne3A_1122, %ne3A_1125 : i1
        %sub3A_1127 = arith.constant 1 : i32
        %sub3A_1128 = arith.subi %div3A_1107, %sub3A_1127 : i32
        %select_n3A_1129 = arith.select %and3A_1126, %sub3A_1128, %div3A_1107 : i32
        %mul3A_1130 = arith.constant 9 : i32
        %mul3A_1131 = arith.muli %select_n3A_1129, %mul3A_1130 : i32
        %add3A_1132 = arith.addi %mul3A_1131, %add3A_427 : i32
        %jit3A_1133 = arith.constant 8 : i32
        %eq3A_1134 = arith.constant 0 : i32
        %eq3A_1135 = arith.cmpi eq, %jit3A_1133, %eq3A_1134 : i32
        %jit3A_1136 = arith.constant 1 : i32
        %select_n3A_1137 = arith.select %eq3A_1135, %jit3A_1136, %jit3A_1133 : i32
        %rem3A_1138 = arith.remsi %add3A_481, %select_n3A_1137 : i32
        %ne3A_1139 = arith.constant 0 : i32
        %ne3A_1140 = arith.cmpi ne, %rem3A_1138, %ne3A_1139 : i32
        %lt3A_1141 = arith.constant 0 : i32
        %lt3A_1142 = arith.cmpi slt, %rem3A_1138, %lt3A_1141 : i32
        %lt3A_1143 = arith.constant 0 : i32
        %lt3A_1144 = arith.cmpi slt, %select_n3A_1137, %lt3A_1143 : i32
        %ne3A_1145 = arith.xori %lt3A_1142, %lt3A_1144 : i1
        %and3A_1146 = arith.andi %ne3A_1145, %ne3A_1140 : i1
        %add3A_1147 = arith.addi %rem3A_1138, %select_n3A_1137 : i32
        %select_n3A_1148 = arith.select %and3A_1146, %add3A_1147, %rem3A_1138 : i32
        %mul3A_1149 = arith.constant 4 : i32
        %mul3A_1150 = arith.muli %select_n3A_1148, %mul3A_1149 : i32
        %add3A_1151 = arith.constant 96 : i32
        %add3A_1152 = arith.addi %add3A_1151, %mul3A_1150 : i32
        %add3A_1153 = arith.addi %add3A_1152, %add3A_485 : i32
        %jit3A_1154 = arith.constant 8 : i32
        %div3A_1155 = arith.divsi %add3A_481, %jit3A_1154 : i32
        %sign3A_1156 = arith.constant 0 : i32
        %sign3A_1157 = arith.cmpi sgt, %add3A_481, %sign3A_1156 : i32
        %sign3A_1158 = arith.extui %sign3A_1157 : i1 to i32
        %sign3A_1159 = arith.constant 0 : i32
        %sign3A_1160 = arith.cmpi slt, %add3A_481, %sign3A_1159 : i32
        %sign3A_1161 = arith.extui %sign3A_1160 : i1 to i32
        %sign3A_1162 = arith.subi %sign3A_1158, %sign3A_1161 : i32
        %sign3A_1163 = arith.constant 0 : i32
        %sign3A_1164 = arith.cmpi sgt, %jit3A_1154, %sign3A_1163 : i32
        %sign3A_1165 = arith.extui %sign3A_1164 : i1 to i32
        %sign3A_1166 = arith.constant 0 : i32
        %sign3A_1167 = arith.cmpi slt, %jit3A_1154, %sign3A_1166 : i32
        %sign3A_1168 = arith.extui %sign3A_1167 : i1 to i32
        %sign3A_1169 = arith.subi %sign3A_1165, %sign3A_1168 : i32
        %ne3A_1170 = arith.cmpi ne, %sign3A_1162, %sign3A_1169 : i32
        %rem3A_1171 = arith.remsi %add3A_481, %jit3A_1154 : i32
        %ne3A_1172 = arith.constant 0 : i32
        %ne3A_1173 = arith.cmpi ne, %rem3A_1171, %ne3A_1172 : i32
        %and3A_1174 = arith.andi %ne3A_1170, %ne3A_1173 : i1
        %sub3A_1175 = arith.constant 1 : i32
        %sub3A_1176 = arith.subi %div3A_1155, %sub3A_1175 : i32
        %select_n3A_1177 = arith.select %and3A_1174, %sub3A_1176, %div3A_1155 : i32
        %mul3A_1178 = arith.constant 9 : i32
        %mul3A_1179 = arith.muli %select_n3A_1177, %mul3A_1178 : i32
        %add3A_1180 = arith.addi %mul3A_1179, %add3A_483 : i32
        %ne3A_1181 = arith.cmpi ne, %add3A_1105, %add3A_1153 : i32
        %ne3A_1182 = arith.cmpi ne, %add3A_1132, %add3A_1180 : i32
        %or3A_1183 = arith.constant false
        %or3A_1184 = arith.ori %or3A_1183, %ne3A_1181 : i1
        %or3A_1185 = arith.ori %or3A_1184, %ne3A_1182 : i1
        %or3A_1186 = arith.constant false
        %or3A_1187 = arith.ori %or3A_1185, %or3A_1186 : i1
        %or3A_1188 = arith.ori %or3A_1187, %eq3A_423 : i1
        %convert_element_type3A_1189 = arith.extui %or3A_1188 : i1 to i32
        %cond3A_1190 = arith.constant 0 : i32
        %cond3A_1191 = arith.cmpi ne, %convert_element_type3A_1189, %cond3A_1190 : i32
        scf.if %cond3A_1191 {
        } else {
        }
        %and3A_1192 = arith.constant false
        %and3A_1193 = arith.andi %or3A_1188, %and3A_1192 : i1
        %jit3A_1194 = arith.constant 8 : i32
        %div3A_1195 = arith.divsi %add3A_425, %jit3A_1194 : i32
        %sign3A_1196 = arith.constant 0 : i32
        %sign3A_1197 = arith.cmpi sgt, %add3A_425, %sign3A_1196 : i32
        %sign3A_1198 = arith.extui %sign3A_1197 : i1 to i32
        %sign3A_1199 = arith.constant 0 : i32
        %sign3A_1200 = arith.cmpi slt, %add3A_425, %sign3A_1199 : i32
        %sign3A_1201 = arith.extui %sign3A_1200 : i1 to i32
        %sign3A_1202 = arith.subi %sign3A_1198, %sign3A_1201 : i32
        %sign3A_1203 = arith.constant 0 : i32
        %sign3A_1204 = arith.cmpi sgt, %jit3A_1194, %sign3A_1203 : i32
        %sign3A_1205 = arith.extui %sign3A_1204 : i1 to i32
        %sign3A_1206 = arith.constant 0 : i32
        %sign3A_1207 = arith.cmpi slt, %jit3A_1194, %sign3A_1206 : i32
        %sign3A_1208 = arith.extui %sign3A_1207 : i1 to i32
        %sign3A_1209 = arith.subi %sign3A_1205, %sign3A_1208 : i32
        %ne3A_1210 = arith.cmpi ne, %sign3A_1202, %sign3A_1209 : i32
        %rem3A_1211 = arith.remsi %add3A_425, %jit3A_1194 : i32
        %ne3A_1212 = arith.constant 0 : i32
        %ne3A_1213 = arith.cmpi ne, %rem3A_1211, %ne3A_1212 : i32
        %and3A_1214 = arith.andi %ne3A_1210, %ne3A_1213 : i1
        %sub3A_1215 = arith.constant 1 : i32
        %sub3A_1216 = arith.subi %div3A_1195, %sub3A_1215 : i32
        %select_n3A_1217 = arith.select %and3A_1214, %sub3A_1216, %div3A_1195 : i32
        %mul3A_1218 = arith.constant 9 : i32
        %mul3A_1219 = arith.muli %select_n3A_1217, %mul3A_1218 : i32
        %add3A_1220 = arith.addi %mul3A_1219, %add3A_427 : i32
        %jit3A_1221 = arith.constant 8 : i32
        %div3A_1222 = arith.divsi %add3A_481, %jit3A_1221 : i32
        %sign3A_1223 = arith.constant 0 : i32
        %sign3A_1224 = arith.cmpi sgt, %add3A_481, %sign3A_1223 : i32
        %sign3A_1225 = arith.extui %sign3A_1224 : i1 to i32
        %sign3A_1226 = arith.constant 0 : i32
        %sign3A_1227 = arith.cmpi slt, %add3A_481, %sign3A_1226 : i32
        %sign3A_1228 = arith.extui %sign3A_1227 : i1 to i32
        %sign3A_1229 = arith.subi %sign3A_1225, %sign3A_1228 : i32
        %sign3A_1230 = arith.constant 0 : i32
        %sign3A_1231 = arith.cmpi sgt, %jit3A_1221, %sign3A_1230 : i32
        %sign3A_1232 = arith.extui %sign3A_1231 : i1 to i32
        %sign3A_1233 = arith.constant 0 : i32
        %sign3A_1234 = arith.cmpi slt, %jit3A_1221, %sign3A_1233 : i32
        %sign3A_1235 = arith.extui %sign3A_1234 : i1 to i32
        %sign3A_1236 = arith.subi %sign3A_1232, %sign3A_1235 : i32
        %ne3A_1237 = arith.cmpi ne, %sign3A_1229, %sign3A_1236 : i32
        %rem3A_1238 = arith.remsi %add3A_481, %jit3A_1221 : i32
        %ne3A_1239 = arith.constant 0 : i32
        %ne3A_1240 = arith.cmpi ne, %rem3A_1238, %ne3A_1239 : i32
        %and3A_1241 = arith.andi %ne3A_1237, %ne3A_1240 : i1
        %sub3A_1242 = arith.constant 1 : i32
        %sub3A_1243 = arith.subi %div3A_1222, %sub3A_1242 : i32
        %select_n3A_1244 = arith.select %and3A_1241, %sub3A_1243, %div3A_1222 : i32
        %mul3A_1245 = arith.constant 9 : i32
        %mul3A_1246 = arith.muli %select_n3A_1244, %mul3A_1245 : i32
        %add3A_1247 = arith.addi %mul3A_1246, %add3A_483 : i32
        %ne3A_1248 = arith.cmpi ne, %add3A_1220, %add3A_1247 : i32
        %or3A_1249 = arith.constant false
        %or3A_1250 = arith.ori %or3A_1249, %ne3A_1248 : i1
        %or3A_1251 = arith.constant false
        %or3A_1252 = arith.ori %or3A_1250, %or3A_1251 : i1
        %or3A_1253 = arith.ori %or3A_1252, %eq3A_423 : i1
        %convert_element_type3A_1254 = arith.extui %or3A_1253 : i1 to i32
        %cond3A_1255 = arith.constant 0 : i32
        %cond3A_1256 = arith.cmpi ne, %convert_element_type3A_1254, %cond3A_1255 : i32
        scf.if %cond3A_1256 {
        } else {
        }
        %and3A_1257 = arith.constant false
        %and3A_1258 = arith.andi %or3A_1253, %and3A_1257 : i1
        %jit3A_1259 = arith.constant 8 : i32
        %eq3A_1260 = arith.constant 0 : i32
        %eq3A_1261 = arith.cmpi eq, %jit3A_1259, %eq3A_1260 : i32
        %jit3A_1262 = arith.constant 1 : i32
        %select_n3A_1263 = arith.select %eq3A_1261, %jit3A_1262, %jit3A_1259 : i32
        %rem3A_1264 = arith.remsi %add3A_425, %select_n3A_1263 : i32
        %ne3A_1265 = arith.constant 0 : i32
        %ne3A_1266 = arith.cmpi ne, %rem3A_1264, %ne3A_1265 : i32
        %lt3A_1267 = arith.constant 0 : i32
        %lt3A_1268 = arith.cmpi slt, %rem3A_1264, %lt3A_1267 : i32
        %lt3A_1269 = arith.constant 0 : i32
        %lt3A_1270 = arith.cmpi slt, %select_n3A_1263, %lt3A_1269 : i32
        %ne3A_1271 = arith.xori %lt3A_1268, %lt3A_1270 : i1
        %and3A_1272 = arith.andi %ne3A_1271, %ne3A_1266 : i1
        %add3A_1273 = arith.addi %rem3A_1264, %select_n3A_1263 : i32
        %select_n3A_1274 = arith.select %and3A_1272, %add3A_1273, %rem3A_1264 : i32
        %mul3A_1275 = arith.constant 4 : i32
        %mul3A_1276 = arith.muli %select_n3A_1274, %mul3A_1275 : i32
        %add3A_1277 = arith.addi %mul3A_1276, %add3A_429 : i32
        %jit3A_1278 = arith.constant 8 : i32
        %div3A_1279 = arith.divsi %add3A_425, %jit3A_1278 : i32
        %sign3A_1280 = arith.constant 0 : i32
        %sign3A_1281 = arith.cmpi sgt, %add3A_425, %sign3A_1280 : i32
        %sign3A_1282 = arith.extui %sign3A_1281 : i1 to i32
        %sign3A_1283 = arith.constant 0 : i32
        %sign3A_1284 = arith.cmpi slt, %add3A_425, %sign3A_1283 : i32
        %sign3A_1285 = arith.extui %sign3A_1284 : i1 to i32
        %sign3A_1286 = arith.subi %sign3A_1282, %sign3A_1285 : i32
        %sign3A_1287 = arith.constant 0 : i32
        %sign3A_1288 = arith.cmpi sgt, %jit3A_1278, %sign3A_1287 : i32
        %sign3A_1289 = arith.extui %sign3A_1288 : i1 to i32
        %sign3A_1290 = arith.constant 0 : i32
        %sign3A_1291 = arith.cmpi slt, %jit3A_1278, %sign3A_1290 : i32
        %sign3A_1292 = arith.extui %sign3A_1291 : i1 to i32
        %sign3A_1293 = arith.subi %sign3A_1289, %sign3A_1292 : i32
        %ne3A_1294 = arith.cmpi ne, %sign3A_1286, %sign3A_1293 : i32
        %rem3A_1295 = arith.remsi %add3A_425, %jit3A_1278 : i32
        %ne3A_1296 = arith.constant 0 : i32
        %ne3A_1297 = arith.cmpi ne, %rem3A_1295, %ne3A_1296 : i32
        %and3A_1298 = arith.andi %ne3A_1294, %ne3A_1297 : i1
        %sub3A_1299 = arith.constant 1 : i32
        %sub3A_1300 = arith.subi %div3A_1279, %sub3A_1299 : i32
        %select_n3A_1301 = arith.select %and3A_1298, %sub3A_1300, %div3A_1279 : i32
        %mul3A_1302 = arith.constant 9 : i32
        %mul3A_1303 = arith.muli %select_n3A_1301, %mul3A_1302 : i32
        %add3A_1304 = arith.addi %mul3A_1303, %add3A_427 : i32
        %jit3A_1305 = arith.constant 8 : i32
        %eq3A_1306 = arith.constant 0 : i32
        %eq3A_1307 = arith.cmpi eq, %jit3A_1305, %eq3A_1306 : i32
        %jit3A_1308 = arith.constant 1 : i32
        %select_n3A_1309 = arith.select %eq3A_1307, %jit3A_1308, %jit3A_1305 : i32
        %rem3A_1310 = arith.remsi %add3A_481, %select_n3A_1309 : i32
        %ne3A_1311 = arith.constant 0 : i32
        %ne3A_1312 = arith.cmpi ne, %rem3A_1310, %ne3A_1311 : i32
        %lt3A_1313 = arith.constant 0 : i32
        %lt3A_1314 = arith.cmpi slt, %rem3A_1310, %lt3A_1313 : i32
        %lt3A_1315 = arith.constant 0 : i32
        %lt3A_1316 = arith.cmpi slt, %select_n3A_1309, %lt3A_1315 : i32
        %ne3A_1317 = arith.xori %lt3A_1314, %lt3A_1316 : i1
        %and3A_1318 = arith.andi %ne3A_1317, %ne3A_1312 : i1
        %add3A_1319 = arith.addi %rem3A_1310, %select_n3A_1309 : i32
        %select_n3A_1320 = arith.select %and3A_1318, %add3A_1319, %rem3A_1310 : i32
        %mul3A_1321 = arith.constant 4 : i32
        %mul3A_1322 = arith.muli %select_n3A_1320, %mul3A_1321 : i32
        %add3A_1323 = arith.addi %mul3A_1322, %add3A_485 : i32
        %jit3A_1324 = arith.constant 8 : i32
        %div3A_1325 = arith.divsi %add3A_481, %jit3A_1324 : i32
        %sign3A_1326 = arith.constant 0 : i32
        %sign3A_1327 = arith.cmpi sgt, %add3A_481, %sign3A_1326 : i32
        %sign3A_1328 = arith.extui %sign3A_1327 : i1 to i32
        %sign3A_1329 = arith.constant 0 : i32
        %sign3A_1330 = arith.cmpi slt, %add3A_481, %sign3A_1329 : i32
        %sign3A_1331 = arith.extui %sign3A_1330 : i1 to i32
        %sign3A_1332 = arith.subi %sign3A_1328, %sign3A_1331 : i32
        %sign3A_1333 = arith.constant 0 : i32
        %sign3A_1334 = arith.cmpi sgt, %jit3A_1324, %sign3A_1333 : i32
        %sign3A_1335 = arith.extui %sign3A_1334 : i1 to i32
        %sign3A_1336 = arith.constant 0 : i32
        %sign3A_1337 = arith.cmpi slt, %jit3A_1324, %sign3A_1336 : i32
        %sign3A_1338 = arith.extui %sign3A_1337 : i1 to i32
        %sign3A_1339 = arith.subi %sign3A_1335, %sign3A_1338 : i32
        %ne3A_1340 = arith.cmpi ne, %sign3A_1332, %sign3A_1339 : i32
        %rem3A_1341 = arith.remsi %add3A_481, %jit3A_1324 : i32
        %ne3A_1342 = arith.constant 0 : i32
        %ne3A_1343 = arith.cmpi ne, %rem3A_1341, %ne3A_1342 : i32
        %and3A_1344 = arith.andi %ne3A_1340, %ne3A_1343 : i1
        %sub3A_1345 = arith.constant 1 : i32
        %sub3A_1346 = arith.subi %div3A_1325, %sub3A_1345 : i32
        %select_n3A_1347 = arith.select %and3A_1344, %sub3A_1346, %div3A_1325 : i32
        %mul3A_1348 = arith.constant 9 : i32
        %mul3A_1349 = arith.muli %select_n3A_1347, %mul3A_1348 : i32
        %add3A_1350 = arith.addi %mul3A_1349, %add3A_483 : i32
        %ne3A_1351 = arith.cmpi ne, %add3A_1277, %add3A_1323 : i32
        %ne3A_1352 = arith.cmpi ne, %add3A_1304, %add3A_1350 : i32
        %or3A_1353 = arith.constant false
        %or3A_1354 = arith.ori %or3A_1353, %ne3A_1351 : i1
        %or3A_1355 = arith.ori %or3A_1354, %ne3A_1352 : i1
        %or3A_1356 = arith.constant false
        %or3A_1357 = arith.ori %or3A_1355, %or3A_1356 : i1
        %or3A_1358 = arith.ori %or3A_1357, %eq3A_423 : i1
        %convert_element_type3A_1359 = arith.extui %or3A_1358 : i1 to i32
        %cond3A_1360 = arith.constant 0 : i32
        %cond3A_1361 = arith.cmpi ne, %convert_element_type3A_1359, %cond3A_1360 : i32
        scf.if %cond3A_1361 {
          "tpu.trace_start"() <{level = 10 : i32, message = "ep_copy_out"}> : () -> ()
          %rem3A_1848 = arith.constant 2 : i32
          %rem3A_1849 = arith.remui %scan3A_415, %rem3A_1848 : i32
          %jit3A_1850 = arith.constant 8 : i32
          %eq3A_1851 = arith.constant 0 : i32
          %eq3A_1852 = arith.cmpi eq, %jit3A_1850, %eq3A_1851 : i32
          %jit3A_1853 = arith.constant 1 : i32
          %select_n3A_1854 = arith.select %eq3A_1852, %jit3A_1853, %jit3A_1850 : i32
          %rem3A_1855 = arith.remsi %add3A_425, %select_n3A_1854 : i32
          %ne3A_1856 = arith.constant 0 : i32
          %ne3A_1857 = arith.cmpi ne, %rem3A_1855, %ne3A_1856 : i32
          %lt3A_1858 = arith.constant 0 : i32
          %lt3A_1859 = arith.cmpi slt, %rem3A_1855, %lt3A_1858 : i32
          %lt3A_1860 = arith.constant 0 : i32
          %lt3A_1861 = arith.cmpi slt, %select_n3A_1854, %lt3A_1860 : i32
          %ne3A_1862 = arith.xori %lt3A_1859, %lt3A_1861 : i1
          %and3A_1863 = arith.andi %ne3A_1862, %ne3A_1857 : i1
          %add3A_1864 = arith.addi %rem3A_1855, %select_n3A_1854 : i32
          %select_n3A_1865 = arith.select %and3A_1863, %add3A_1864, %rem3A_1855 : i32
          %mul3A_1866 = arith.constant 4 : i32
          %mul3A_1867 = arith.muli %select_n3A_1865, %mul3A_1866 : i32
          %add3A_1868 = arith.addi %mul3A_1867, %add3A_429 : i32
          %jit3A_1869 = arith.constant 8 : i32
          %div3A_1870 = arith.divsi %add3A_425, %jit3A_1869 : i32
          %sign3A_1871 = arith.constant 0 : i32
          %sign3A_1872 = arith.cmpi sgt, %add3A_425, %sign3A_1871 : i32
          %sign3A_1873 = arith.extui %sign3A_1872 : i1 to i32
          %sign3A_1874 = arith.constant 0 : i32
          %sign3A_1875 = arith.cmpi slt, %add3A_425, %sign3A_1874 : i32
          %sign3A_1876 = arith.extui %sign3A_1875 : i1 to i32
          %sign3A_1877 = arith.subi %sign3A_1873, %sign3A_1876 : i32
          %sign3A_1878 = arith.constant 0 : i32
          %sign3A_1879 = arith.cmpi sgt, %jit3A_1869, %sign3A_1878 : i32
          %sign3A_1880 = arith.extui %sign3A_1879 : i1 to i32
          %sign3A_1881 = arith.constant 0 : i32
          %sign3A_1882 = arith.cmpi slt, %jit3A_1869, %sign3A_1881 : i32
          %sign3A_1883 = arith.extui %sign3A_1882 : i1 to i32
          %sign3A_1884 = arith.subi %sign3A_1880, %sign3A_1883 : i32
          %ne3A_1885 = arith.cmpi ne, %sign3A_1877, %sign3A_1884 : i32
          %rem3A_1886 = arith.remsi %add3A_425, %jit3A_1869 : i32
          %ne3A_1887 = arith.constant 0 : i32
          %ne3A_1888 = arith.cmpi ne, %rem3A_1886, %ne3A_1887 : i32
          %and3A_1889 = arith.andi %ne3A_1885, %ne3A_1888 : i1
          %sub3A_1890 = arith.constant 1 : i32
          %sub3A_1891 = arith.subi %div3A_1870, %sub3A_1890 : i32
          %select_n3A_1892 = arith.select %and3A_1889, %sub3A_1891, %div3A_1870 : i32
          %mul3A_1893 = arith.constant 9 : i32
          %mul3A_1894 = arith.muli %select_n3A_1892, %mul3A_1893 : i32
          %add3A_1895 = arith.addi %mul3A_1894, %add3A_427 : i32
          %mul3A_1896 = arith.constant 1 : i32
          %mul3A_1897 = arith.muli %mul3A_1896, %add3A_1868 : i32
          %mul3A_1898 = arith.constant 16 : i32
          %mul3A_1899 = arith.muli %mul3A_1898, %add3A_1895 : i32
          %dma_start3A_1900 = arith.constant 0 : i32
          %dma_start3A_1901 = arith.constant 0 : i32
          %dma_start3A_1902 = arith.constant 0 : i32
          %dma_start3A_1903 = tpu.memref_slice %run_scoped3A_10[%rem3A_1849, %dma_start3A_1900, %dma_start3A_1901, %dma_start3A_1902] : memref<2x1x16x768xf32, #tpu.memory_space<vmem>> -> memref<1x1x16x768xf32, #tpu.memory_space<vmem>>
          %dma_start3A_1904 = tpu.memref_squeeze %dma_start3A_1903 : memref<1x1x16x768xf32, #tpu.memory_space<vmem>> -> memref<1x16x768xf32, #tpu.memory_space<vmem>>
          %dma_start3A_1905 = arith.constant 0 : i32
          %dma_start3A_1906 = tpu.memref_slice %arg4[%mul3A_1897, %mul3A_1899, %dma_start3A_1905] : memref<32x576x768xf32, #tpu.memory_space<hbm>> -> memref<1x16x768xf32, #tpu.memory_space<hbm>>
          %dma_start3A_1907 = tpu.memref_slice %run_scoped3A_11[%rem3A_1849] : memref<2x!tpu.dma_semaphore, #tpu.memory_space<semaphore_mem>> -> memref<1x!tpu.dma_semaphore, #tpu.memory_space<semaphore_mem>>
          %dma_start3A_1908 = tpu.memref_squeeze %dma_start3A_1907 : memref<1x!tpu.dma_semaphore, #tpu.memory_space<semaphore_mem>> -> memref<!tpu.dma_semaphore, #tpu.memory_space<semaphore_mem>>
          %dma_start3A_1909 = arith.constant 0 : i32
          %dma_start3A_1910 = tpu.memref_slice %arg4[%mul3A_1897, %mul3A_1899, %dma_start3A_1909] : memref<32x576x768xf32, #tpu.memory_space<hbm>> -> memref<1x16x768xf32, #tpu.memory_space<hbm>>
          %dma_start3A_1911 = arith.constant 0 : i32
          %dma_start3A_1912 = arith.constant 0 : i32
          %dma_start3A_1913 = arith.constant 0 : i32
          %dma_start3A_1914 = tpu.memref_slice %run_scoped3A_10[%rem3A_1849, %dma_start3A_1911, %dma_start3A_1912, %dma_start3A_1913] : memref<2x1x16x768xf32, #tpu.memory_space<vmem>> -> memref<1x1x16x768xf32, #tpu.memory_space<vmem>>
          %dma_start3A_1915 = tpu.memref_squeeze %dma_start3A_1914 : memref<1x1x16x768xf32, #tpu.memory_space<vmem>> -> memref<1x16x768xf32, #tpu.memory_space<vmem>>
          tpu.enqueue_dma source(%dma_start3A_1915 : memref<1x16x768xf32, #tpu.memory_space<vmem>>) target(%dma_start3A_1910 : memref<1x16x768xf32, #tpu.memory_space<hbm>>) target_semaphore(%dma_start3A_1908 : memref<!tpu.dma_semaphore, #tpu.memory_space<semaphore_mem>>)
          "tpu.trace_stop"() : () -> ()
        } else {
        }
        %and3A_1362 = arith.constant true
        %and3A_1363 = arith.andi %or3A_1358, %and3A_1362 : i1
        %add3A_1364 = arith.constant 1 : i32
        %add3A_1365 = arith.addi %scan3A_415, %add3A_1364 : i32
        %select_n3A_1366 = arith.select %and3A_1363, %add3A_1365, %scan3A_415 : i32
        %jit3A_1367 = arith.constant 8 : i32
        %eq3A_1368 = arith.constant 0 : i32
        %eq3A_1369 = arith.cmpi eq, %jit3A_1367, %eq3A_1368 : i32
        %jit3A_1370 = arith.constant 1 : i32
        %select_n3A_1371 = arith.select %eq3A_1369, %jit3A_1370, %jit3A_1367 : i32
        %rem3A_1372 = arith.remsi %add3A_425, %select_n3A_1371 : i32
        %ne3A_1373 = arith.constant 0 : i32
        %ne3A_1374 = arith.cmpi ne, %rem3A_1372, %ne3A_1373 : i32
        %lt3A_1375 = arith.constant 0 : i32
        %lt3A_1376 = arith.cmpi slt, %rem3A_1372, %lt3A_1375 : i32
        %lt3A_1377 = arith.constant 0 : i32
        %lt3A_1378 = arith.cmpi slt, %select_n3A_1371, %lt3A_1377 : i32
        %ne3A_1379 = arith.xori %lt3A_1376, %lt3A_1378 : i1
        %and3A_1380 = arith.andi %ne3A_1379, %ne3A_1374 : i1
        %add3A_1381 = arith.addi %rem3A_1372, %select_n3A_1371 : i32
        %select_n3A_1382 = arith.select %and3A_1380, %add3A_1381, %rem3A_1372 : i32
        %mul3A_1383 = arith.constant 4 : i32
        %mul3A_1384 = arith.muli %select_n3A_1382, %mul3A_1383 : i32
        %add3A_1385 = arith.constant 96 : i32
        %add3A_1386 = arith.addi %add3A_1385, %mul3A_1384 : i32
        %add3A_1387 = arith.addi %add3A_1386, %add3A_429 : i32
        %jit3A_1388 = arith.constant 8 : i32
        %div3A_1389 = arith.divsi %add3A_425, %jit3A_1388 : i32
        %sign3A_1390 = arith.constant 0 : i32
        %sign3A_1391 = arith.cmpi sgt, %add3A_425, %sign3A_1390 : i32
        %sign3A_1392 = arith.extui %sign3A_1391 : i1 to i32
        %sign3A_1393 = arith.constant 0 : i32
        %sign3A_1394 = arith.cmpi slt, %add3A_425, %sign3A_1393 : i32
        %sign3A_1395 = arith.extui %sign3A_1394 : i1 to i32
        %sign3A_1396 = arith.subi %sign3A_1392, %sign3A_1395 : i32
        %sign3A_1397 = arith.constant 0 : i32
        %sign3A_1398 = arith.cmpi sgt, %jit3A_1388, %sign3A_1397 : i32
        %sign3A_1399 = arith.extui %sign3A_1398 : i1 to i32
        %sign3A_1400 = arith.constant 0 : i32
        %sign3A_1401 = arith.cmpi slt, %jit3A_1388, %sign3A_1400 : i32
        %sign3A_1402 = arith.extui %sign3A_1401 : i1 to i32
        %sign3A_1403 = arith.subi %sign3A_1399, %sign3A_1402 : i32
        %ne3A_1404 = arith.cmpi ne, %sign3A_1396, %sign3A_1403 : i32
        %rem3A_1405 = arith.remsi %add3A_425, %jit3A_1388 : i32
        %ne3A_1406 = arith.constant 0 : i32
        %ne3A_1407 = arith.cmpi ne, %rem3A_1405, %ne3A_1406 : i32
        %and3A_1408 = arith.andi %ne3A_1404, %ne3A_1407 : i1
        %sub3A_1409 = arith.constant 1 : i32
        %sub3A_1410 = arith.subi %div3A_1389, %sub3A_1409 : i32
        %select_n3A_1411 = arith.select %and3A_1408, %sub3A_1410, %div3A_1389 : i32
        %mul3A_1412 = arith.constant 9 : i32
        %mul3A_1413 = arith.muli %select_n3A_1411, %mul3A_1412 : i32
        %add3A_1414 = arith.addi %mul3A_1413, %add3A_427 : i32
        %jit3A_1415 = arith.constant 8 : i32
        %eq3A_1416 = arith.constant 0 : i32
        %eq3A_1417 = arith.cmpi eq, %jit3A_1415, %eq3A_1416 : i32
        %jit3A_1418 = arith.constant 1 : i32
        %select_n3A_1419 = arith.select %eq3A_1417, %jit3A_1418, %jit3A_1415 : i32
        %rem3A_1420 = arith.remsi %add3A_453, %select_n3A_1419 : i32
        %ne3A_1421 = arith.constant 0 : i32
        %ne3A_1422 = arith.cmpi ne, %rem3A_1420, %ne3A_1421 : i32
        %lt3A_1423 = arith.constant 0 : i32
        %lt3A_1424 = arith.cmpi slt, %rem3A_1420, %lt3A_1423 : i32
        %lt3A_1425 = arith.constant 0 : i32
        %lt3A_1426 = arith.cmpi slt, %select_n3A_1419, %lt3A_1425 : i32
        %ne3A_1427 = arith.xori %lt3A_1424, %lt3A_1426 : i1
        %and3A_1428 = arith.andi %ne3A_1427, %ne3A_1422 : i1
        %add3A_1429 = arith.addi %rem3A_1420, %select_n3A_1419 : i32
        %select_n3A_1430 = arith.select %and3A_1428, %add3A_1429, %rem3A_1420 : i32
        %mul3A_1431 = arith.constant 4 : i32
        %mul3A_1432 = arith.muli %select_n3A_1430, %mul3A_1431 : i32
        %add3A_1433 = arith.constant 96 : i32
        %add3A_1434 = arith.addi %add3A_1433, %mul3A_1432 : i32
        %add3A_1435 = arith.addi %add3A_1434, %add3A_457 : i32
        %jit3A_1436 = arith.constant 8 : i32
        %div3A_1437 = arith.divsi %add3A_453, %jit3A_1436 : i32
        %sign3A_1438 = arith.constant 0 : i32
        %sign3A_1439 = arith.cmpi sgt, %add3A_453, %sign3A_1438 : i32
        %sign3A_1440 = arith.extui %sign3A_1439 : i1 to i32
        %sign3A_1441 = arith.constant 0 : i32
        %sign3A_1442 = arith.cmpi slt, %add3A_453, %sign3A_1441 : i32
        %sign3A_1443 = arith.extui %sign3A_1442 : i1 to i32
        %sign3A_1444 = arith.subi %sign3A_1440, %sign3A_1443 : i32
        %sign3A_1445 = arith.constant 0 : i32
        %sign3A_1446 = arith.cmpi sgt, %jit3A_1436, %sign3A_1445 : i32
        %sign3A_1447 = arith.extui %sign3A_1446 : i1 to i32
        %sign3A_1448 = arith.constant 0 : i32
        %sign3A_1449 = arith.cmpi slt, %jit3A_1436, %sign3A_1448 : i32
        %sign3A_1450 = arith.extui %sign3A_1449 : i1 to i32
        %sign3A_1451 = arith.subi %sign3A_1447, %sign3A_1450 : i32
        %ne3A_1452 = arith.cmpi ne, %sign3A_1444, %sign3A_1451 : i32
        %rem3A_1453 = arith.remsi %add3A_453, %jit3A_1436 : i32
        %ne3A_1454 = arith.constant 0 : i32
        %ne3A_1455 = arith.cmpi ne, %rem3A_1453, %ne3A_1454 : i32
        %and3A_1456 = arith.andi %ne3A_1452, %ne3A_1455 : i1
        %sub3A_1457 = arith.constant 1 : i32
        %sub3A_1458 = arith.subi %div3A_1437, %sub3A_1457 : i32
        %select_n3A_1459 = arith.select %and3A_1456, %sub3A_1458, %div3A_1437 : i32
        %mul3A_1460 = arith.constant 9 : i32
        %mul3A_1461 = arith.muli %select_n3A_1459, %mul3A_1460 : i32
        %add3A_1462 = arith.addi %mul3A_1461, %add3A_455 : i32
        %ne3A_1463 = arith.cmpi ne, %add3A_1387, %add3A_1435 : i32
        %ne3A_1464 = arith.cmpi ne, %add3A_1414, %add3A_1462 : i32
        %or3A_1465 = arith.constant false
        %or3A_1466 = arith.ori %or3A_1465, %ne3A_1463 : i1
        %or3A_1467 = arith.ori %or3A_1466, %ne3A_1464 : i1
        %or3A_1468 = arith.constant false
        %or3A_1469 = arith.ori %or3A_1467, %or3A_1468 : i1
        %not3A_1470 = arith.constant true
        %not3A_1471 = arith.xori %eq3A_421, %not3A_1470 : i1
        %and3A_1472 = arith.andi %or3A_1469, %not3A_1471 : i1
        %convert_element_type3A_1473 = arith.extui %and3A_1472 : i1 to i32
        %cond3A_1474 = arith.constant 0 : i32
        %cond3A_1475 = arith.cmpi ne, %convert_element_type3A_1473, %cond3A_1474 : i32
        scf.if %cond3A_1475 {
        } else {
        }
        %and3A_1476 = arith.constant false
        %and3A_1477 = arith.andi %and3A_1472, %and3A_1476 : i1
        %jit3A_1478 = arith.constant 8 : i32
        %div3A_1479 = arith.divsi %add3A_425, %jit3A_1478 : i32
        %sign3A_1480 = arith.constant 0 : i32
        %sign3A_1481 = arith.cmpi sgt, %add3A_425, %sign3A_1480 : i32
        %sign3A_1482 = arith.extui %sign3A_1481 : i1 to i32
        %sign3A_1483 = arith.constant 0 : i32
        %sign3A_1484 = arith.cmpi slt, %add3A_425, %sign3A_1483 : i32
        %sign3A_1485 = arith.extui %sign3A_1484 : i1 to i32
        %sign3A_1486 = arith.subi %sign3A_1482, %sign3A_1485 : i32
        %sign3A_1487 = arith.constant 0 : i32
        %sign3A_1488 = arith.cmpi sgt, %jit3A_1478, %sign3A_1487 : i32
        %sign3A_1489 = arith.extui %sign3A_1488 : i1 to i32
        %sign3A_1490 = arith.constant 0 : i32
        %sign3A_1491 = arith.cmpi slt, %jit3A_1478, %sign3A_1490 : i32
        %sign3A_1492 = arith.extui %sign3A_1491 : i1 to i32
        %sign3A_1493 = arith.subi %sign3A_1489, %sign3A_1492 : i32
        %ne3A_1494 = arith.cmpi ne, %sign3A_1486, %sign3A_1493 : i32
        %rem3A_1495 = arith.remsi %add3A_425, %jit3A_1478 : i32
        %ne3A_1496 = arith.constant 0 : i32
        %ne3A_1497 = arith.cmpi ne, %rem3A_1495, %ne3A_1496 : i32
        %and3A_1498 = arith.andi %ne3A_1494, %ne3A_1497 : i1
        %sub3A_1499 = arith.constant 1 : i32
        %sub3A_1500 = arith.subi %div3A_1479, %sub3A_1499 : i32
        %select_n3A_1501 = arith.select %and3A_1498, %sub3A_1500, %div3A_1479 : i32
        %mul3A_1502 = arith.constant 9 : i32
        %mul3A_1503 = arith.muli %select_n3A_1501, %mul3A_1502 : i32
        %add3A_1504 = arith.addi %mul3A_1503, %add3A_427 : i32
        %jit3A_1505 = arith.constant 8 : i32
        %div3A_1506 = arith.divsi %add3A_453, %jit3A_1505 : i32
        %sign3A_1507 = arith.constant 0 : i32
        %sign3A_1508 = arith.cmpi sgt, %add3A_453, %sign3A_1507 : i32
        %sign3A_1509 = arith.extui %sign3A_1508 : i1 to i32
        %sign3A_1510 = arith.constant 0 : i32
        %sign3A_1511 = arith.cmpi slt, %add3A_453, %sign3A_1510 : i32
        %sign3A_1512 = arith.extui %sign3A_1511 : i1 to i32
        %sign3A_1513 = arith.subi %sign3A_1509, %sign3A_1512 : i32
        %sign3A_1514 = arith.constant 0 : i32
        %sign3A_1515 = arith.cmpi sgt, %jit3A_1505, %sign3A_1514 : i32
        %sign3A_1516 = arith.extui %sign3A_1515 : i1 to i32
        %sign3A_1517 = arith.constant 0 : i32
        %sign3A_1518 = arith.cmpi slt, %jit3A_1505, %sign3A_1517 : i32
        %sign3A_1519 = arith.extui %sign3A_1518 : i1 to i32
        %sign3A_1520 = arith.subi %sign3A_1516, %sign3A_1519 : i32
        %ne3A_1521 = arith.cmpi ne, %sign3A_1513, %sign3A_1520 : i32
        %rem3A_1522 = arith.remsi %add3A_453, %jit3A_1505 : i32
        %ne3A_1523 = arith.constant 0 : i32
        %ne3A_1524 = arith.cmpi ne, %rem3A_1522, %ne3A_1523 : i32
        %and3A_1525 = arith.andi %ne3A_1521, %ne3A_1524 : i1
        %sub3A_1526 = arith.constant 1 : i32
        %sub3A_1527 = arith.subi %div3A_1506, %sub3A_1526 : i32
        %select_n3A_1528 = arith.select %and3A_1525, %sub3A_1527, %div3A_1506 : i32
        %mul3A_1529 = arith.constant 9 : i32
        %mul3A_1530 = arith.muli %select_n3A_1528, %mul3A_1529 : i32
        %add3A_1531 = arith.addi %mul3A_1530, %add3A_455 : i32
        %ne3A_1532 = arith.cmpi ne, %add3A_1504, %add3A_1531 : i32
        %or3A_1533 = arith.constant false
        %or3A_1534 = arith.ori %or3A_1533, %ne3A_1532 : i1
        %or3A_1535 = arith.constant false
        %or3A_1536 = arith.ori %or3A_1534, %or3A_1535 : i1
        %not3A_1537 = arith.constant true
        %not3A_1538 = arith.xori %eq3A_421, %not3A_1537 : i1
        %and3A_1539 = arith.andi %or3A_1536, %not3A_1538 : i1
        %convert_element_type3A_1540 = arith.extui %and3A_1539 : i1 to i32
        %cond3A_1541 = arith.constant 0 : i32
        %cond3A_1542 = arith.cmpi ne, %convert_element_type3A_1540, %cond3A_1541 : i32
        scf.if %cond3A_1542 {
        } else {
        }
        %and3A_1543 = arith.constant false
        %and3A_1544 = arith.andi %and3A_1539, %and3A_1543 : i1
        %jit3A_1545 = arith.constant 8 : i32
        %eq3A_1546 = arith.constant 0 : i32
        %eq3A_1547 = arith.cmpi eq, %jit3A_1545, %eq3A_1546 : i32
        %jit3A_1548 = arith.constant 1 : i32
        %select_n3A_1549 = arith.select %eq3A_1547, %jit3A_1548, %jit3A_1545 : i32
        %rem3A_1550 = arith.remsi %add3A_425, %select_n3A_1549 : i32
        %ne3A_1551 = arith.constant 0 : i32
        %ne3A_1552 = arith.cmpi ne, %rem3A_1550, %ne3A_1551 : i32
        %lt3A_1553 = arith.constant 0 : i32
        %lt3A_1554 = arith.cmpi slt, %rem3A_1550, %lt3A_1553 : i32
        %lt3A_1555 = arith.constant 0 : i32
        %lt3A_1556 = arith.cmpi slt, %select_n3A_1549, %lt3A_1555 : i32
        %ne3A_1557 = arith.xori %lt3A_1554, %lt3A_1556 : i1
        %and3A_1558 = arith.andi %ne3A_1557, %ne3A_1552 : i1
        %add3A_1559 = arith.addi %rem3A_1550, %select_n3A_1549 : i32
        %select_n3A_1560 = arith.select %and3A_1558, %add3A_1559, %rem3A_1550 : i32
        %mul3A_1561 = arith.constant 4 : i32
        %mul3A_1562 = arith.muli %select_n3A_1560, %mul3A_1561 : i32
        %add3A_1563 = arith.addi %mul3A_1562, %add3A_429 : i32
        %jit3A_1564 = arith.constant 8 : i32
        %div3A_1565 = arith.divsi %add3A_425, %jit3A_1564 : i32
        %sign3A_1566 = arith.constant 0 : i32
        %sign3A_1567 = arith.cmpi sgt, %add3A_425, %sign3A_1566 : i32
        %sign3A_1568 = arith.extui %sign3A_1567 : i1 to i32
        %sign3A_1569 = arith.constant 0 : i32
        %sign3A_1570 = arith.cmpi slt, %add3A_425, %sign3A_1569 : i32
        %sign3A_1571 = arith.extui %sign3A_1570 : i1 to i32
        %sign3A_1572 = arith.subi %sign3A_1568, %sign3A_1571 : i32
        %sign3A_1573 = arith.constant 0 : i32
        %sign3A_1574 = arith.cmpi sgt, %jit3A_1564, %sign3A_1573 : i32
        %sign3A_1575 = arith.extui %sign3A_1574 : i1 to i32
        %sign3A_1576 = arith.constant 0 : i32
        %sign3A_1577 = arith.cmpi slt, %jit3A_1564, %sign3A_1576 : i32
        %sign3A_1578 = arith.extui %sign3A_1577 : i1 to i32
        %sign3A_1579 = arith.subi %sign3A_1575, %sign3A_1578 : i32
        %ne3A_1580 = arith.cmpi ne, %sign3A_1572, %sign3A_1579 : i32
        %rem3A_1581 = arith.remsi %add3A_425, %jit3A_1564 : i32
        %ne3A_1582 = arith.constant 0 : i32
        %ne3A_1583 = arith.cmpi ne, %rem3A_1581, %ne3A_1582 : i32
        %and3A_1584 = arith.andi %ne3A_1580, %ne3A_1583 : i1
        %sub3A_1585 = arith.constant 1 : i32
        %sub3A_1586 = arith.subi %div3A_1565, %sub3A_1585 : i32
        %select_n3A_1587 = arith.select %and3A_1584, %sub3A_1586, %div3A_1565 : i32
        %mul3A_1588 = arith.constant 9 : i32
        %mul3A_1589 = arith.muli %select_n3A_1587, %mul3A_1588 : i32
        %add3A_1590 = arith.addi %mul3A_1589, %add3A_427 : i32
        %jit3A_1591 = arith.constant 8 : i32
        %eq3A_1592 = arith.constant 0 : i32
        %eq3A_1593 = arith.cmpi eq, %jit3A_1591, %eq3A_1592 : i32
        %jit3A_1594 = arith.constant 1 : i32
        %select_n3A_1595 = arith.select %eq3A_1593, %jit3A_1594, %jit3A_1591 : i32
        %rem3A_1596 = arith.remsi %add3A_453, %select_n3A_1595 : i32
        %ne3A_1597 = arith.constant 0 : i32
        %ne3A_1598 = arith.cmpi ne, %rem3A_1596, %ne3A_1597 : i32
        %lt3A_1599 = arith.constant 0 : i32
        %lt3A_1600 = arith.cmpi slt, %rem3A_1596, %lt3A_1599 : i32
        %lt3A_1601 = arith.constant 0 : i32
        %lt3A_1602 = arith.cmpi slt, %select_n3A_1595, %lt3A_1601 : i32
        %ne3A_1603 = arith.xori %lt3A_1600, %lt3A_1602 : i1
        %and3A_1604 = arith.andi %ne3A_1603, %ne3A_1598 : i1
        %add3A_1605 = arith.addi %rem3A_1596, %select_n3A_1595 : i32
        %select_n3A_1606 = arith.select %and3A_1604, %add3A_1605, %rem3A_1596 : i32
        %mul3A_1607 = arith.constant 4 : i32
        %mul3A_1608 = arith.muli %select_n3A_1606, %mul3A_1607 : i32
        %add3A_1609 = arith.addi %mul3A_1608, %add3A_457 : i32
        %jit3A_1610 = arith.constant 8 : i32
        %div3A_1611 = arith.divsi %add3A_453, %jit3A_1610 : i32
        %sign3A_1612 = arith.constant 0 : i32
        %sign3A_1613 = arith.cmpi sgt, %add3A_453, %sign3A_1612 : i32
        %sign3A_1614 = arith.extui %sign3A_1613 : i1 to i32
        %sign3A_1615 = arith.constant 0 : i32
        %sign3A_1616 = arith.cmpi slt, %add3A_453, %sign3A_1615 : i32
        %sign3A_1617 = arith.extui %sign3A_1616 : i1 to i32
        %sign3A_1618 = arith.subi %sign3A_1614, %sign3A_1617 : i32
        %sign3A_1619 = arith.constant 0 : i32
        %sign3A_1620 = arith.cmpi sgt, %jit3A_1610, %sign3A_1619 : i32
        %sign3A_1621 = arith.extui %sign3A_1620 : i1 to i32
        %sign3A_1622 = arith.constant 0 : i32
        %sign3A_1623 = arith.cmpi slt, %jit3A_1610, %sign3A_1622 : i32
        %sign3A_1624 = arith.extui %sign3A_1623 : i1 to i32
        %sign3A_1625 = arith.subi %sign3A_1621, %sign3A_1624 : i32
        %ne3A_1626 = arith.cmpi ne, %sign3A_1618, %sign3A_1625 : i32
        %rem3A_1627 = arith.remsi %add3A_453, %jit3A_1610 : i32
        %ne3A_1628 = arith.constant 0 : i32
        %ne3A_1629 = arith.cmpi ne, %rem3A_1627, %ne3A_1628 : i32
        %and3A_1630 = arith.andi %ne3A_1626, %ne3A_1629 : i1
        %sub3A_1631 = arith.constant 1 : i32
        %sub3A_1632 = arith.subi %div3A_1611, %sub3A_1631 : i32
        %select_n3A_1633 = arith.select %and3A_1630, %sub3A_1632, %div3A_1611 : i32
        %mul3A_1634 = arith.constant 9 : i32
        %mul3A_1635 = arith.muli %select_n3A_1633, %mul3A_1634 : i32
        %add3A_1636 = arith.addi %mul3A_1635, %add3A_455 : i32
        %ne3A_1637 = arith.cmpi ne, %add3A_1563, %add3A_1609 : i32
        %ne3A_1638 = arith.cmpi ne, %add3A_1590, %add3A_1636 : i32
        %or3A_1639 = arith.constant false
        %or3A_1640 = arith.ori %or3A_1639, %ne3A_1637 : i1
        %or3A_1641 = arith.ori %or3A_1640, %ne3A_1638 : i1
        %or3A_1642 = arith.constant false
        %or3A_1643 = arith.ori %or3A_1641, %or3A_1642 : i1
        %not3A_1644 = arith.constant true
        %not3A_1645 = arith.xori %eq3A_421, %not3A_1644 : i1
        %and3A_1646 = arith.andi %or3A_1643, %not3A_1645 : i1
        %convert_element_type3A_1647 = arith.extui %and3A_1646 : i1 to i32
        %cond3A_1648 = arith.constant 0 : i32
        %cond3A_1649 = arith.cmpi ne, %convert_element_type3A_1647, %cond3A_1648 : i32
        scf.if %cond3A_1649 {
          "tpu.trace_start"() <{level = 10 : i32, message = "ep_wait_out"}> : () -> ()
          %rem3A_1848 = arith.constant 2 : i32
          %rem3A_1849 = arith.remui %scan3A_416, %rem3A_1848 : i32
          %jit3A_1850 = arith.constant 8 : i32
          %eq3A_1851 = arith.constant 0 : i32
          %eq3A_1852 = arith.cmpi eq, %jit3A_1850, %eq3A_1851 : i32
          %jit3A_1853 = arith.constant 1 : i32
          %select_n3A_1854 = arith.select %eq3A_1852, %jit3A_1853, %jit3A_1850 : i32
          %rem3A_1855 = arith.remsi %add3A_453, %select_n3A_1854 : i32
          %ne3A_1856 = arith.constant 0 : i32
          %ne3A_1857 = arith.cmpi ne, %rem3A_1855, %ne3A_1856 : i32
          %lt3A_1858 = arith.constant 0 : i32
          %lt3A_1859 = arith.cmpi slt, %rem3A_1855, %lt3A_1858 : i32
          %lt3A_1860 = arith.constant 0 : i32
          %lt3A_1861 = arith.cmpi slt, %select_n3A_1854, %lt3A_1860 : i32
          %ne3A_1862 = arith.xori %lt3A_1859, %lt3A_1861 : i1
          %and3A_1863 = arith.andi %ne3A_1862, %ne3A_1857 : i1
          %add3A_1864 = arith.addi %rem3A_1855, %select_n3A_1854 : i32
          %select_n3A_1865 = arith.select %and3A_1863, %add3A_1864, %rem3A_1855 : i32
          %mul3A_1866 = arith.constant 4 : i32
          %mul3A_1867 = arith.muli %select_n3A_1865, %mul3A_1866 : i32
          %add3A_1868 = arith.addi %mul3A_1867, %add3A_457 : i32
          %jit3A_1869 = arith.constant 8 : i32
          %div3A_1870 = arith.divsi %add3A_453, %jit3A_1869 : i32
          %sign3A_1871 = arith.constant 0 : i32
          %sign3A_1872 = arith.cmpi sgt, %add3A_453, %sign3A_1871 : i32
          %sign3A_1873 = arith.extui %sign3A_1872 : i1 to i32
          %sign3A_1874 = arith.constant 0 : i32
          %sign3A_1875 = arith.cmpi slt, %add3A_453, %sign3A_1874 : i32
          %sign3A_1876 = arith.extui %sign3A_1875 : i1 to i32
          %sign3A_1877 = arith.subi %sign3A_1873, %sign3A_1876 : i32
          %sign3A_1878 = arith.constant 0 : i32
          %sign3A_1879 = arith.cmpi sgt, %jit3A_1869, %sign3A_1878 : i32
          %sign3A_1880 = arith.extui %sign3A_1879 : i1 to i32
          %sign3A_1881 = arith.constant 0 : i32
          %sign3A_1882 = arith.cmpi slt, %jit3A_1869, %sign3A_1881 : i32
          %sign3A_1883 = arith.extui %sign3A_1882 : i1 to i32
          %sign3A_1884 = arith.subi %sign3A_1880, %sign3A_1883 : i32
          %ne3A_1885 = arith.cmpi ne, %sign3A_1877, %sign3A_1884 : i32
          %rem3A_1886 = arith.remsi %add3A_453, %jit3A_1869 : i32
          %ne3A_1887 = arith.constant 0 : i32
          %ne3A_1888 = arith.cmpi ne, %rem3A_1886, %ne3A_1887 : i32
          %and3A_1889 = arith.andi %ne3A_1885, %ne3A_1888 : i1
          %sub3A_1890 = arith.constant 1 : i32
          %sub3A_1891 = arith.subi %div3A_1870, %sub3A_1890 : i32
          %select_n3A_1892 = arith.select %and3A_1889, %sub3A_1891, %div3A_1870 : i32
          %mul3A_1893 = arith.constant 9 : i32
          %mul3A_1894 = arith.muli %select_n3A_1892, %mul3A_1893 : i32
          %add3A_1895 = arith.addi %mul3A_1894, %add3A_455 : i32
          %mul3A_1896 = arith.constant 1 : i32
          %mul3A_1897 = arith.muli %mul3A_1896, %add3A_1868 : i32
          %mul3A_1898 = arith.constant 16 : i32
          %mul3A_1899 = arith.muli %mul3A_1898, %add3A_1895 : i32
          %dma_wait3A_1900 = arith.constant 0 : i32
          %dma_wait3A_1901 = arith.constant 0 : i32
          %dma_wait3A_1902 = arith.constant 0 : i32
          %dma_wait3A_1903 = tpu.memref_slice %run_scoped3A_10[%rem3A_1849, %dma_wait3A_1900, %dma_wait3A_1901, %dma_wait3A_1902] : memref<2x1x16x768xf32, #tpu.memory_space<vmem>> -> memref<1x1x16x768xf32, #tpu.memory_space<vmem>>
          %dma_wait3A_1904 = tpu.memref_squeeze %dma_wait3A_1903 : memref<1x1x16x768xf32, #tpu.memory_space<vmem>> -> memref<1x16x768xf32, #tpu.memory_space<vmem>>
          %dma_wait3A_1905 = arith.constant 0 : i32
          %dma_wait3A_1906 = tpu.memref_slice %arg4[%mul3A_1897, %mul3A_1899, %dma_wait3A_1905] : memref<32x576x768xf32, #tpu.memory_space<hbm>> -> memref<1x16x768xf32, #tpu.memory_space<hbm>>
          %dma_wait3A_1907 = tpu.memref_slice %run_scoped3A_11[%rem3A_1849] : memref<2x!tpu.dma_semaphore, #tpu.memory_space<semaphore_mem>> -> memref<1x!tpu.dma_semaphore, #tpu.memory_space<semaphore_mem>>
          %dma_wait3A_1908 = tpu.memref_squeeze %dma_wait3A_1907 : memref<1x!tpu.dma_semaphore, #tpu.memory_space<semaphore_mem>> -> memref<!tpu.dma_semaphore, #tpu.memory_space<semaphore_mem>>
          %dma_wait3A_1909 = arith.constant 0 : i32
          %dma_wait3A_1910 = tpu.memref_slice %arg4[%mul3A_1897, %mul3A_1899, %dma_wait3A_1909] : memref<32x576x768xf32, #tpu.memory_space<hbm>> -> memref<1x16x768xf32, #tpu.memory_space<hbm>>
          %dma_wait3A_1911 = arith.constant 0 : i32
          %dma_wait3A_1912 = arith.constant 0 : i32
          %dma_wait3A_1913 = arith.constant 0 : i32
          %dma_wait3A_1914 = tpu.memref_slice %run_scoped3A_10[%rem3A_1849, %dma_wait3A_1911, %dma_wait3A_1912, %dma_wait3A_1913] : memref<2x1x16x768xf32, #tpu.memory_space<vmem>> -> memref<1x1x16x768xf32, #tpu.memory_space<vmem>>
          %dma_wait3A_1915 = tpu.memref_squeeze %dma_wait3A_1914 : memref<1x1x16x768xf32, #tpu.memory_space<vmem>> -> memref<1x16x768xf32, #tpu.memory_space<vmem>>
          tpu.wait_dma2 semaphore(%dma_wait3A_1908 : memref<!tpu.dma_semaphore, #tpu.memory_space<semaphore_mem>>) src(%dma_wait3A_1915 : memref<1x16x768xf32, #tpu.memory_space<vmem>>) dst(%dma_wait3A_1910 : memref<1x16x768xf32, #tpu.memory_space<hbm>>)
          "tpu.trace_stop"() : () -> ()
        } else {
        }
        %and3A_1650 = arith.constant true
        %and3A_1651 = arith.andi %and3A_1646, %and3A_1650 : i1
        %add3A_1652 = arith.constant 1 : i32
        %add3A_1653 = arith.addi %scan3A_416, %add3A_1652 : i32
        %select_n3A_1654 = arith.select %and3A_1651, %add3A_1653, %scan3A_416 : i32
        %jit3A_1655 = arith.constant 8 : i32
        %eq3A_1656 = arith.constant 0 : i32
        %eq3A_1657 = arith.cmpi eq, %jit3A_1655, %eq3A_1656 : i32
        %jit3A_1658 = arith.constant 1 : i32
        %select_n3A_1659 = arith.select %eq3A_1657, %jit3A_1658, %jit3A_1655 : i32
        %rem3A_1660 = arith.remsi %add3A_425, %select_n3A_1659 : i32
        %ne3A_1661 = arith.constant 0 : i32
        %ne3A_1662 = arith.cmpi ne, %rem3A_1660, %ne3A_1661 : i32
        %lt3A_1663 = arith.constant 0 : i32
        %lt3A_1664 = arith.cmpi slt, %rem3A_1660, %lt3A_1663 : i32
        %lt3A_1665 = arith.constant 0 : i32
        %lt3A_1666 = arith.cmpi slt, %select_n3A_1659, %lt3A_1665 : i32
        %ne3A_1667 = arith.xori %lt3A_1664, %lt3A_1666 : i1
        %and3A_1668 = arith.andi %ne3A_1667, %ne3A_1662 : i1
        %add3A_1669 = arith.addi %rem3A_1660, %select_n3A_1659 : i32
        %select_n3A_1670 = arith.select %and3A_1668, %add3A_1669, %rem3A_1660 : i32
        %mul3A_1671 = arith.constant 4 : i32
        %mul3A_1672 = arith.muli %select_n3A_1670, %mul3A_1671 : i32
        %add3A_1673 = arith.constant 96 : i32
        %add3A_1674 = arith.addi %add3A_1673, %mul3A_1672 : i32
        %add3A_1675 = arith.addi %add3A_1674, %add3A_429 : i32
        %jit3A_1676 = arith.constant 8 : i32
        %div3A_1677 = arith.divsi %add3A_425, %jit3A_1676 : i32
        %sign3A_1678 = arith.constant 0 : i32
        %sign3A_1679 = arith.cmpi sgt, %add3A_425, %sign3A_1678 : i32
        %sign3A_1680 = arith.extui %sign3A_1679 : i1 to i32
        %sign3A_1681 = arith.constant 0 : i32
        %sign3A_1682 = arith.cmpi slt, %add3A_425, %sign3A_1681 : i32
        %sign3A_1683 = arith.extui %sign3A_1682 : i1 to i32
        %sign3A_1684 = arith.subi %sign3A_1680, %sign3A_1683 : i32
        %sign3A_1685 = arith.constant 0 : i32
        %sign3A_1686 = arith.cmpi sgt, %jit3A_1676, %sign3A_1685 : i32
        %sign3A_1687 = arith.extui %sign3A_1686 : i1 to i32
        %sign3A_1688 = arith.constant 0 : i32
        %sign3A_1689 = arith.cmpi slt, %jit3A_1676, %sign3A_1688 : i32
        %sign3A_1690 = arith.extui %sign3A_1689 : i1 to i32
        %sign3A_1691 = arith.subi %sign3A_1687, %sign3A_1690 : i32
        %ne3A_1692 = arith.cmpi ne, %sign3A_1684, %sign3A_1691 : i32
        %rem3A_1693 = arith.remsi %add3A_425, %jit3A_1676 : i32
        %ne3A_1694 = arith.constant 0 : i32
        %ne3A_1695 = arith.cmpi ne, %rem3A_1693, %ne3A_1694 : i32
        %and3A_1696 = arith.andi %ne3A_1692, %ne3A_1695 : i1
        %sub3A_1697 = arith.constant 1 : i32
        %sub3A_1698 = arith.subi %div3A_1677, %sub3A_1697 : i32
        %select_n3A_1699 = arith.select %and3A_1696, %sub3A_1698, %div3A_1677 : i32
        %mul3A_1700 = arith.constant 9 : i32
        %mul3A_1701 = arith.muli %select_n3A_1699, %mul3A_1700 : i32
        %add3A_1702 = arith.addi %mul3A_1701, %add3A_427 : i32
        %jit3A_1703 = arith.constant 8 : i32
        %eq3A_1704 = arith.constant 0 : i32
        %eq3A_1705 = arith.cmpi eq, %jit3A_1703, %eq3A_1704 : i32
        %jit3A_1706 = arith.constant 1 : i32
        %select_n3A_1707 = arith.select %eq3A_1705, %jit3A_1706, %jit3A_1703 : i32
        %rem3A_1708 = arith.remsi %add3A_481, %select_n3A_1707 : i32
        %ne3A_1709 = arith.constant 0 : i32
        %ne3A_1710 = arith.cmpi ne, %rem3A_1708, %ne3A_1709 : i32
        %lt3A_1711 = arith.constant 0 : i32
        %lt3A_1712 = arith.cmpi slt, %rem3A_1708, %lt3A_1711 : i32
        %lt3A_1713 = arith.constant 0 : i32
        %lt3A_1714 = arith.cmpi slt, %select_n3A_1707, %lt3A_1713 : i32
        %ne3A_1715 = arith.xori %lt3A_1712, %lt3A_1714 : i1
        %and3A_1716 = arith.andi %ne3A_1715, %ne3A_1710 : i1
        %add3A_1717 = arith.addi %rem3A_1708, %select_n3A_1707 : i32
        %select_n3A_1718 = arith.select %and3A_1716, %add3A_1717, %rem3A_1708 : i32
        %mul3A_1719 = arith.constant 4 : i32
        %mul3A_1720 = arith.muli %select_n3A_1718, %mul3A_1719 : i32
        %add3A_1721 = arith.constant 96 : i32
        %add3A_1722 = arith.addi %add3A_1721, %mul3A_1720 : i32
        %add3A_1723 = arith.addi %add3A_1722, %add3A_485 : i32
        %jit3A_1724 = arith.constant 8 : i32
        %div3A_1725 = arith.divsi %add3A_481, %jit3A_1724 : i32
        %sign3A_1726 = arith.constant 0 : i32
        %sign3A_1727 = arith.cmpi sgt, %add3A_481, %sign3A_1726 : i32
        %sign3A_1728 = arith.extui %sign3A_1727 : i1 to i32
        %sign3A_1729 = arith.constant 0 : i32
        %sign3A_1730 = arith.cmpi slt, %add3A_481, %sign3A_1729 : i32
        %sign3A_1731 = arith.extui %sign3A_1730 : i1 to i32
        %sign3A_1732 = arith.subi %sign3A_1728, %sign3A_1731 : i32
        %sign3A_1733 = arith.constant 0 : i32
        %sign3A_1734 = arith.cmpi sgt, %jit3A_1724, %sign3A_1733 : i32
        %sign3A_1735 = arith.extui %sign3A_1734 : i1 to i32
        %sign3A_1736 = arith.constant 0 : i32
        %sign3A_1737 = arith.cmpi slt, %jit3A_1724, %sign3A_1736 : i32
        %sign3A_1738 = arith.extui %sign3A_1737 : i1 to i32
        %sign3A_1739 = arith.subi %sign3A_1735, %sign3A_1738 : i32
        %ne3A_1740 = arith.cmpi ne, %sign3A_1732, %sign3A_1739 : i32
        %rem3A_1741 = arith.remsi %add3A_481, %jit3A_1724 : i32
        %ne3A_1742 = arith.constant 0 : i32
        %ne3A_1743 = arith.cmpi ne, %rem3A_1741, %ne3A_1742 : i32
        %and3A_1744 = arith.andi %ne3A_1740, %ne3A_1743 : i1
        %sub3A_1745 = arith.constant 1 : i32
        %sub3A_1746 = arith.subi %div3A_1725, %sub3A_1745 : i32
        %select_n3A_1747 = arith.select %and3A_1744, %sub3A_1746, %div3A_1725 : i32
        %mul3A_1748 = arith.constant 9 : i32
        %mul3A_1749 = arith.muli %select_n3A_1747, %mul3A_1748 : i32
        %add3A_1750 = arith.addi %mul3A_1749, %add3A_483 : i32
        %ne3A_1751 = arith.cmpi ne, %add3A_1675, %add3A_1723 : i32
        %ne3A_1752 = arith.cmpi ne, %add3A_1702, %add3A_1750 : i32
        %or3A_1753 = arith.constant false
        %or3A_1754 = arith.ori %or3A_1753, %ne3A_1751 : i1
        %or3A_1755 = arith.ori %or3A_1754, %ne3A_1752 : i1
        %or3A_1756 = arith.constant false
        %or3A_1757 = arith.ori %or3A_1755, %or3A_1756 : i1
        %or3A_1758 = arith.ori %or3A_1757, %eq3A_423 : i1
        %add3A_1759 = arith.constant 1 : i32
        %add3A_1760 = arith.addi %scan3A_412, %add3A_1759 : i32
        %select_n3A_1761 = arith.select %or3A_1758, %add3A_1760, %scan3A_412 : i32
        %jit3A_1762 = arith.constant 8 : i32
        %div3A_1763 = arith.divsi %add3A_425, %jit3A_1762 : i32
        %sign3A_1764 = arith.constant 0 : i32
        %sign3A_1765 = arith.cmpi sgt, %add3A_425, %sign3A_1764 : i32
        %sign3A_1766 = arith.extui %sign3A_1765 : i1 to i32
        %sign3A_1767 = arith.constant 0 : i32
        %sign3A_1768 = arith.cmpi slt, %add3A_425, %sign3A_1767 : i32
        %sign3A_1769 = arith.extui %sign3A_1768 : i1 to i32
        %sign3A_1770 = arith.subi %sign3A_1766, %sign3A_1769 : i32
        %sign3A_1771 = arith.constant 0 : i32
        %sign3A_1772 = arith.cmpi sgt, %jit3A_1762, %sign3A_1771 : i32
        %sign3A_1773 = arith.extui %sign3A_1772 : i1 to i32
        %sign3A_1774 = arith.constant 0 : i32
        %sign3A_1775 = arith.cmpi slt, %jit3A_1762, %sign3A_1774 : i32
        %sign3A_1776 = arith.extui %sign3A_1775 : i1 to i32
        %sign3A_1777 = arith.subi %sign3A_1773, %sign3A_1776 : i32
        %ne3A_1778 = arith.cmpi ne, %sign3A_1770, %sign3A_1777 : i32
        %rem3A_1779 = arith.remsi %add3A_425, %jit3A_1762 : i32
        %ne3A_1780 = arith.constant 0 : i32
        %ne3A_1781 = arith.cmpi ne, %rem3A_1779, %ne3A_1780 : i32
        %and3A_1782 = arith.andi %ne3A_1778, %ne3A_1781 : i1
        %sub3A_1783 = arith.constant 1 : i32
        %sub3A_1784 = arith.subi %div3A_1763, %sub3A_1783 : i32
        %select_n3A_1785 = arith.select %and3A_1782, %sub3A_1784, %div3A_1763 : i32
        %mul3A_1786 = arith.constant 9 : i32
        %mul3A_1787 = arith.muli %select_n3A_1785, %mul3A_1786 : i32
        %add3A_1788 = arith.addi %mul3A_1787, %add3A_427 : i32
        %jit3A_1789 = arith.constant 8 : i32
        %div3A_1790 = arith.divsi %add3A_481, %jit3A_1789 : i32
        %sign3A_1791 = arith.constant 0 : i32
        %sign3A_1792 = arith.cmpi sgt, %add3A_481, %sign3A_1791 : i32
        %sign3A_1793 = arith.extui %sign3A_1792 : i1 to i32
        %sign3A_1794 = arith.constant 0 : i32
        %sign3A_1795 = arith.cmpi slt, %add3A_481, %sign3A_1794 : i32
        %sign3A_1796 = arith.extui %sign3A_1795 : i1 to i32
        %sign3A_1797 = arith.subi %sign3A_1793, %sign3A_1796 : i32
        %sign3A_1798 = arith.constant 0 : i32
        %sign3A_1799 = arith.cmpi sgt, %jit3A_1789, %sign3A_1798 : i32
        %sign3A_1800 = arith.extui %sign3A_1799 : i1 to i32
        %sign3A_1801 = arith.constant 0 : i32
        %sign3A_1802 = arith.cmpi slt, %jit3A_1789, %sign3A_1801 : i32
        %sign3A_1803 = arith.extui %sign3A_1802 : i1 to i32
        %sign3A_1804 = arith.subi %sign3A_1800, %sign3A_1803 : i32
        %ne3A_1805 = arith.cmpi ne, %sign3A_1797, %sign3A_1804 : i32
        %rem3A_1806 = arith.remsi %add3A_481, %jit3A_1789 : i32
        %ne3A_1807 = arith.constant 0 : i32
        %ne3A_1808 = arith.cmpi ne, %rem3A_1806, %ne3A_1807 : i32
        %and3A_1809 = arith.andi %ne3A_1805, %ne3A_1808 : i1
        %sub3A_1810 = arith.constant 1 : i32
        %sub3A_1811 = arith.subi %div3A_1790, %sub3A_1810 : i32
        %select_n3A_1812 = arith.select %and3A_1809, %sub3A_1811, %div3A_1790 : i32
        %mul3A_1813 = arith.constant 9 : i32
        %mul3A_1814 = arith.muli %select_n3A_1812, %mul3A_1813 : i32
        %add3A_1815 = arith.addi %mul3A_1814, %add3A_483 : i32
        %ne3A_1816 = arith.cmpi ne, %add3A_1788, %add3A_1815 : i32
        %or3A_1817 = arith.constant false
        %or3A_1818 = arith.ori %or3A_1817, %ne3A_1816 : i1
        %or3A_1819 = arith.constant false
        %or3A_1820 = arith.ori %or3A_1818, %or3A_1819 : i1
        %or3A_1821 = arith.ori %or3A_1820, %eq3A_423 : i1
        %add3A_1822 = arith.constant 1 : i32
        %add3A_1823 = arith.addi %scan3A_414, %add3A_1822 : i32
        %select_n3A_1824 = arith.select %or3A_1821, %add3A_1823, %scan3A_414 : i32
        %add3A_1825 = arith.constant 1 : i32
        %add3A_1826 = arith.addi %scan3A_419, %add3A_1825 : i32
        %select_n3A_1827 = arith.constant true
        %select_n3A_1828 = arith.select %select_n3A_1827, %add3A_1826, %scan3A_419 : i32
        %eq3A_1829 = arith.constant 4 : i32
        %eq3A_1830 = arith.cmpi eq, %select_n3A_1828, %eq3A_1829 : i32
        %select_n3A_1831 = arith.constant 0 : i32
        %select_n3A_1832 = arith.select %eq3A_1830, %select_n3A_1831, %select_n3A_1828 : i32
        %add3A_1833 = arith.constant 1 : i32
        %add3A_1834 = arith.addi %scan3A_418, %add3A_1833 : i32
        %select_n3A_1835 = arith.select %eq3A_1830, %add3A_1834, %scan3A_418 : i32
        %eq3A_1836 = arith.constant 9 : i32
        %eq3A_1837 = arith.cmpi eq, %select_n3A_1835, %eq3A_1836 : i32
        %select_n3A_1838 = arith.constant 0 : i32
        %select_n3A_1839 = arith.select %eq3A_1837, %select_n3A_1838, %select_n3A_1835 : i32
        %select_n3A_1840 = arith.constant 0 : i32
        %select_n3A_1841 = arith.constant 1 : i32
        %select_n3A_1842 = arith.select %eq3A_1837, %select_n3A_1841, %select_n3A_1840 : i32
        %eq3A_1843 = arith.constant 1 : i32
        %eq3A_1844 = arith.cmpi eq, %select_n3A_1842, %eq3A_1843 : i32
        %select_n3A_1845 = arith.constant 0 : i32
        %select_n3A_1846 = arith.select %eq3A_1844, %select_n3A_1845, %select_n3A_1842 : i32
        %scan3A_1847 = arith.constant 0 : i32
        scf.yield %select_n3A_624, %select_n3A_1761, %select_n3A_696, %select_n3A_1824, %select_n3A_1366, %select_n3A_1654, %scan3A_1847, %select_n3A_1839, %select_n3A_1832 : i32, i32, i32, i32, i32, i32, i32, i32, i32
      }
      %scan3A_230 = arith.constant 36 : i32
      %sub3A_231 = arith.constant 1 : i32
      %sub3A_232 = arith.subi %scan3A_229#8, %sub3A_231 : i32
      %select_n3A_233 = arith.constant true
      %select_n3A_234 = arith.select %select_n3A_233, %sub3A_232, %scan3A_229#8 : i32
      %eq3A_235 = arith.constant -1 : i32
      %eq3A_236 = arith.cmpi eq, %select_n3A_234, %eq3A_235 : i32
      %select_n3A_237 = arith.constant 3 : i32
      %select_n3A_238 = arith.select %eq3A_236, %select_n3A_237, %select_n3A_234 : i32
      %sub3A_239 = arith.constant 1 : i32
      %sub3A_240 = arith.subi %scan3A_229#7, %sub3A_239 : i32
      %select_n3A_241 = arith.select %eq3A_236, %sub3A_240, %scan3A_229#7 : i32
      %eq3A_242 = arith.constant -1 : i32
      %eq3A_243 = arith.cmpi eq, %select_n3A_241, %eq3A_242 : i32
      %select_n3A_244 = arith.constant 8 : i32
      %select_n3A_245 = arith.select %eq3A_243, %select_n3A_244, %select_n3A_241 : i32
      %sub3A_246 = arith.constant 1 : i32
      %sub3A_247 = arith.subi %scan3A_229#6, %sub3A_246 : i32
      %select_n3A_248 = arith.select %eq3A_243, %sub3A_247, %scan3A_229#6 : i32
      %eq3A_249 = arith.constant -1 : i32
      %eq3A_250 = arith.cmpi eq, %select_n3A_248, %eq3A_249 : i32
      %select_n3A_251 = arith.constant 0 : i32
      %select_n3A_252 = arith.select %eq3A_250, %select_n3A_251, %select_n3A_248 : i32
      %add3A_253 = arith.constant 0 : i32
      %add3A_254 = arith.addi %add3A_253, %mul3A_6 : i32
      %add3A_255 = arith.constant 0 : i32
      %add3A_256 = arith.addi %select_n3A_245, %add3A_255 : i32
      %add3A_257 = arith.constant 0 : i32
      %add3A_258 = arith.addi %select_n3A_238, %add3A_257 : i32
      %sub3A_259 = arith.constant 1 : i32
      %sub3A_260 = arith.subi %select_n3A_238, %sub3A_259 : i32
      %select_n3A_261 = arith.constant true
      %select_n3A_262 = arith.select %select_n3A_261, %sub3A_260, %select_n3A_238 : i32
      %eq3A_263 = arith.constant -1 : i32
      %eq3A_264 = arith.cmpi eq, %select_n3A_262, %eq3A_263 : i32
      %select_n3A_265 = arith.constant 3 : i32
      %select_n3A_266 = arith.select %eq3A_264, %select_n3A_265, %select_n3A_262 : i32
      %sub3A_267 = arith.constant 1 : i32
      %sub3A_268 = arith.subi %select_n3A_245, %sub3A_267 : i32
      %select_n3A_269 = arith.select %eq3A_264, %sub3A_268, %select_n3A_245 : i32
      %eq3A_270 = arith.constant -1 : i32
      %eq3A_271 = arith.cmpi eq, %select_n3A_269, %eq3A_270 : i32
      %select_n3A_272 = arith.constant 8 : i32
      %select_n3A_273 = arith.select %eq3A_271, %select_n3A_272, %select_n3A_269 : i32
      %select_n3A_274 = arith.constant 0 : i32
      %select_n3A_275 = arith.constant -1 : i32
      %select_n3A_276 = arith.select %eq3A_271, %select_n3A_275, %select_n3A_274 : i32
      %eq3A_277 = arith.constant -1 : i32
      %eq3A_278 = arith.cmpi eq, %select_n3A_276, %eq3A_277 : i32
      %select_n3A_279 = arith.constant 0 : i32
      %select_n3A_280 = arith.select %eq3A_278, %select_n3A_279, %select_n3A_276 : i32
      %add3A_281 = arith.constant 0 : i32
      %add3A_282 = arith.addi %add3A_281, %mul3A_6 : i32
      %add3A_283 = arith.constant 0 : i32
      %add3A_284 = arith.addi %select_n3A_273, %add3A_283 : i32
      %add3A_285 = arith.constant 0 : i32
      %add3A_286 = arith.addi %select_n3A_266, %add3A_285 : i32
      %add3A_287 = arith.constant 1 : i32
      %add3A_288 = arith.addi %select_n3A_238, %add3A_287 : i32
      %select_n3A_289 = arith.constant true
      %select_n3A_290 = arith.select %select_n3A_289, %add3A_288, %select_n3A_238 : i32
      %eq3A_291 = arith.constant 4 : i32
      %eq3A_292 = arith.cmpi eq, %select_n3A_290, %eq3A_291 : i32
      %select_n3A_293 = arith.constant 0 : i32
      %select_n3A_294 = arith.select %eq3A_292, %select_n3A_293, %select_n3A_290 : i32
      %add3A_295 = arith.constant 1 : i32
      %add3A_296 = arith.addi %select_n3A_245, %add3A_295 : i32
      %select_n3A_297 = arith.select %eq3A_292, %add3A_296, %select_n3A_245 : i32
      %eq3A_298 = arith.constant 9 : i32
      %eq3A_299 = arith.cmpi eq, %select_n3A_297, %eq3A_298 : i32
      %select_n3A_300 = arith.constant 0 : i32
      %select_n3A_301 = arith.select %eq3A_299, %select_n3A_300, %select_n3A_297 : i32
      %select_n3A_302 = arith.constant 0 : i32
      %select_n3A_303 = arith.constant 1 : i32
      %select_n3A_304 = arith.select %eq3A_299, %select_n3A_303, %select_n3A_302 : i32
      %eq3A_305 = arith.constant 1 : i32
      %eq3A_306 = arith.cmpi eq, %select_n3A_304, %eq3A_305 : i32
      %select_n3A_307 = arith.constant 0 : i32
      %select_n3A_308 = arith.select %eq3A_306, %select_n3A_307, %select_n3A_304 : i32
      %add3A_309 = arith.constant 0 : i32
      %add3A_310 = arith.addi %add3A_309, %mul3A_6 : i32
      %add3A_311 = arith.constant 0 : i32
      %add3A_312 = arith.addi %select_n3A_301, %add3A_311 : i32
      %add3A_313 = arith.constant 0 : i32
      %add3A_314 = arith.addi %select_n3A_294, %add3A_313 : i32
      %add3A_315 = arith.constant 1 : i32
      %add3A_316 = arith.addi %select_n3A_294, %add3A_315 : i32
      %select_n3A_317 = arith.constant true
      %select_n3A_318 = arith.select %select_n3A_317, %add3A_316, %select_n3A_294 : i32
      %eq3A_319 = arith.constant 4 : i32
      %eq3A_320 = arith.cmpi eq, %select_n3A_318, %eq3A_319 : i32
      %select_n3A_321 = arith.constant 0 : i32
      %select_n3A_322 = arith.select %eq3A_320, %select_n3A_321, %select_n3A_318 : i32
      %add3A_323 = arith.constant 1 : i32
      %add3A_324 = arith.addi %select_n3A_301, %add3A_323 : i32
      %select_n3A_325 = arith.select %eq3A_320, %add3A_324, %select_n3A_301 : i32
      %eq3A_326 = arith.constant 9 : i32
      %eq3A_327 = arith.cmpi eq, %select_n3A_325, %eq3A_326 : i32
      %select_n3A_328 = arith.constant 0 : i32
      %select_n3A_329 = arith.select %eq3A_327, %select_n3A_328, %select_n3A_325 : i32
      %select_n3A_330 = arith.constant 0 : i32
      %select_n3A_331 = arith.constant 1 : i32
      %select_n3A_332 = arith.select %eq3A_327, %select_n3A_331, %select_n3A_330 : i32
      %eq3A_333 = arith.constant 1 : i32
      %eq3A_334 = arith.cmpi eq, %select_n3A_332, %eq3A_333 : i32
      %select_n3A_335 = arith.constant 0 : i32
      %select_n3A_336 = arith.select %eq3A_334, %select_n3A_335, %select_n3A_332 : i32
      %add3A_337 = arith.constant 0 : i32
      %add3A_338 = arith.addi %add3A_337, %mul3A_6 : i32
      %add3A_339 = arith.constant 0 : i32
      %add3A_340 = arith.addi %select_n3A_329, %add3A_339 : i32
      %add3A_341 = arith.constant 0 : i32
      %add3A_342 = arith.addi %select_n3A_322, %add3A_341 : i32
      "tpu.trace_start"() <{level = 10 : i32, message = "ep_finalize"}> : () -> ()
      %rem3A_343 = arith.constant 2 : i32
      %rem3A_344 = arith.remui %scan3A_229#5, %rem3A_343 : i32
      %jit3A_345 = arith.constant 8 : i32
      %eq3A_346 = arith.constant 0 : i32
      %eq3A_347 = arith.cmpi eq, %jit3A_345, %eq3A_346 : i32
      %jit3A_348 = arith.constant 1 : i32
      %select_n3A_349 = arith.select %eq3A_347, %jit3A_348, %jit3A_345 : i32
      %rem3A_350 = arith.remsi %add3A_254, %select_n3A_349 : i32
      %ne3A_351 = arith.constant 0 : i32
      %ne3A_352 = arith.cmpi ne, %rem3A_350, %ne3A_351 : i32
      %lt3A_353 = arith.constant 0 : i32
      %lt3A_354 = arith.cmpi slt, %rem3A_350, %lt3A_353 : i32
      %lt3A_355 = arith.constant 0 : i32
      %lt3A_356 = arith.cmpi slt, %select_n3A_349, %lt3A_355 : i32
      %ne3A_357 = arith.xori %lt3A_354, %lt3A_356 : i1
      %and3A_358 = arith.andi %ne3A_357, %ne3A_352 : i1
      %add3A_359 = arith.addi %rem3A_350, %select_n3A_349 : i32
      %select_n3A_360 = arith.select %and3A_358, %add3A_359, %rem3A_350 : i32
      %mul3A_361 = arith.constant 4 : i32
      %mul3A_362 = arith.muli %select_n3A_360, %mul3A_361 : i32
      %add3A_363 = arith.addi %mul3A_362, %add3A_258 : i32
      %jit3A_364 = arith.constant 8 : i32
      %div3A_365 = arith.divsi %add3A_254, %jit3A_364 : i32
      %sign3A_366 = arith.constant 0 : i32
      %sign3A_367 = arith.cmpi sgt, %add3A_254, %sign3A_366 : i32
      %sign3A_368 = arith.extui %sign3A_367 : i1 to i32
      %sign3A_369 = arith.constant 0 : i32
      %sign3A_370 = arith.cmpi slt, %add3A_254, %sign3A_369 : i32
      %sign3A_371 = arith.extui %sign3A_370 : i1 to i32
      %sign3A_372 = arith.subi %sign3A_368, %sign3A_371 : i32
      %sign3A_373 = arith.constant 0 : i32
      %sign3A_374 = arith.cmpi sgt, %jit3A_364, %sign3A_373 : i32
      %sign3A_375 = arith.extui %sign3A_374 : i1 to i32
      %sign3A_376 = arith.constant 0 : i32
      %sign3A_377 = arith.cmpi slt, %jit3A_364, %sign3A_376 : i32
      %sign3A_378 = arith.extui %sign3A_377 : i1 to i32
      %sign3A_379 = arith.subi %sign3A_375, %sign3A_378 : i32
      %ne3A_380 = arith.cmpi ne, %sign3A_372, %sign3A_379 : i32
      %rem3A_381 = arith.remsi %add3A_254, %jit3A_364 : i32
      %ne3A_382 = arith.constant 0 : i32
      %ne3A_383 = arith.cmpi ne, %rem3A_381, %ne3A_382 : i32
      %and3A_384 = arith.andi %ne3A_380, %ne3A_383 : i1
      %sub3A_385 = arith.constant 1 : i32
      %sub3A_386 = arith.subi %div3A_365, %sub3A_385 : i32
      %select_n3A_387 = arith.select %and3A_384, %sub3A_386, %div3A_365 : i32
      %mul3A_388 = arith.constant 9 : i32
      %mul3A_389 = arith.muli %select_n3A_387, %mul3A_388 : i32
      %add3A_390 = arith.addi %mul3A_389, %add3A_256 : i32
      %mul3A_391 = arith.constant 1 : i32
      %mul3A_392 = arith.muli %mul3A_391, %add3A_363 : i32
      %mul3A_393 = arith.constant 16 : i32
      %mul3A_394 = arith.muli %mul3A_393, %add3A_390 : i32
      %dma_wait3A = arith.constant 0 : i32
      %dma_wait3A_395 = arith.constant 0 : i32
      %dma_wait3A_396 = arith.constant 0 : i32
      %dma_wait3A_397 = tpu.memref_slice %run_scoped3A_10[%rem3A_344, %dma_wait3A, %dma_wait3A_395, %dma_wait3A_396] : memref<2x1x16x768xf32, #tpu.memory_space<vmem>> -> memref<1x1x16x768xf32, #tpu.memory_space<vmem>>
      %dma_wait3A_398 = tpu.memref_squeeze %dma_wait3A_397 : memref<1x1x16x768xf32, #tpu.memory_space<vmem>> -> memref<1x16x768xf32, #tpu.memory_space<vmem>>
      %dma_wait3A_399 = arith.constant 0 : i32
      %dma_wait3A_400 = tpu.memref_slice %arg4[%mul3A_392, %mul3A_394, %dma_wait3A_399] : memref<32x576x768xf32, #tpu.memory_space<hbm>> -> memref<1x16x768xf32, #tpu.memory_space<hbm>>
      %dma_wait3A_401 = tpu.memref_slice %run_scoped3A_11[%rem3A_344] : memref<2x!tpu.dma_semaphore, #tpu.memory_space<semaphore_mem>> -> memref<1x!tpu.dma_semaphore, #tpu.memory_space<semaphore_mem>>
      %dma_wait3A_402 = tpu.memref_squeeze %dma_wait3A_401 : memref<1x!tpu.dma_semaphore, #tpu.memory_space<semaphore_mem>> -> memref<!tpu.dma_semaphore, #tpu.memory_space<semaphore_mem>>
      %dma_wait3A_403 = arith.constant 0 : i32
      %dma_wait3A_404 = tpu.memref_slice %arg4[%mul3A_392, %mul3A_394, %dma_wait3A_403] : memref<32x576x768xf32, #tpu.memory_space<hbm>> -> memref<1x16x768xf32, #tpu.memory_space<hbm>>
      %dma_wait3A_405 = arith.constant 0 : i32
      %dma_wait3A_406 = arith.constant 0 : i32
      %dma_wait3A_407 = arith.constant 0 : i32
      %dma_wait3A_408 = tpu.memref_slice %run_scoped3A_10[%rem3A_344, %dma_wait3A_405, %dma_wait3A_406, %dma_wait3A_407] : memref<2x1x16x768xf32, #tpu.memory_space<vmem>> -> memref<1x1x16x768xf32, #tpu.memory_space<vmem>>
      %dma_wait3A_409 = tpu.memref_squeeze %dma_wait3A_408 : memref<1x1x16x768xf32, #tpu.memory_space<vmem>> -> memref<1x16x768xf32, #tpu.memory_space<vmem>>
      tpu.wait_dma2 semaphore(%dma_wait3A_402 : memref<!tpu.dma_semaphore, #tpu.memory_space<semaphore_mem>>) src(%dma_wait3A_409 : memref<1x16x768xf32, #tpu.memory_space<vmem>>) dst(%dma_wait3A_404 : memref<1x16x768xf32, #tpu.memory_space<hbm>>)
      "tpu.trace_stop"() : () -> ()
      tpu.yield
    }) : () -> ()
    return
  }
}

module attributes {stable_mosaic.version = 14 : i64} {
  func.func @_tc_add(%arg0: i32, %arg1: memref<8x576x768xf32, #tpu.memory_space<vmem>>, %arg2: memref<576x768xf32, #tpu.memory_space<vmem>>, %arg3: memref<8x576x768xf32, #tpu.memory_space<vmem>>) attributes {dimension_semantics = [#tpu.dimension_semantics<arbitrary>], iteration_bounds = array<i64: 12>, scalar_prefetch = 0 : i64, scratch_operands = 0 : i64, tpu.core_type = #tpu.core_type<tc>, window_params = [{transform_indices = @transform_0, window_bounds = array<i64: 8, 576, 768>}, {pipeline_mode = #tpu.pipeline_mode<synchronous>, transform_indices = @transform_1, window_bounds = array<i64: 576, 768>}, {transform_indices = @transform_2, window_bounds = array<i64: 8, 576, 768>}]} {
    %get3A = arith.constant 0 : index
    %get3A_0 = arith.constant 0 : index
    %get3A_1 = arith.constant 0 : index
    %get3A_2 = vector.load %arg1[%get3A, %get3A_0, %get3A_1] : memref<8x576x768xf32, #tpu.memory_space<vmem>>, vector<8x576x768xf32>
    %get3A_3 = arith.constant 0 : index
    %get3A_4 = arith.constant 0 : index
    %get3A_5 = vector.load %arg2[%get3A_3, %get3A_4] : memref<576x768xf32, #tpu.memory_space<vmem>>, vector<576x768xf32>
    %broadcast_in_dim3A = vector.shape_cast %get3A_5 : vector<576x768xf32> to vector<1x576x768xf32>
    %add3A = vector.broadcast %broadcast_in_dim3A : vector<1x576x768xf32> to vector<8x576x768xf32>
    %add3A_6 = arith.addf %get3A_2, %add3A : vector<8x576x768xf32>
    %swap3A = arith.constant 0 : index
    %swap3A_7 = arith.constant 0 : index
    %swap3A_8 = arith.constant 0 : index
    %swap3A_9 = vector.load %arg3[%swap3A, %swap3A_7, %swap3A_8] : memref<8x576x768xf32, #tpu.memory_space<vmem>>, vector<8x576x768xf32>
    tpu.vector_store %arg3[%swap3A, %swap3A_7, %swap3A_8], %add3A_6 {strides = array<i32>} : memref<8x576x768xf32, #tpu.memory_space<vmem>>, vector<8x576x768xf32>,
    return
  }
  func.func @transform_0(%arg0: i32) -> (i32, i32, i32) {
    %c0_i32 = arith.constant 0 : i32
    %c0_i32_0 = arith.constant 0 : i32
    %c0_i32_1 = arith.constant 0 : i32
    return %arg0, %c0_i32, %c0_i32_0 : i32, i32, i32
  }
  func.func @transform_1(%arg0: i32) -> (i32, i32) {
    %c0_i32 = arith.constant 0 : i32
    %c0_i32_0 = arith.constant 0 : i32
    %c0_i32_1 = arith.constant 0 : i32
    return %c0_i32, %c0_i32_0 : i32, i32
  }
  func.func @transform_2(%arg0: i32) -> (i32, i32, i32) {
    %c0_i32 = arith.constant 0 : i32
    %c0_i32_0 = arith.constant 0 : i32
    %c0_i32_1 = arith.constant 0 : i32
    return %arg0, %c0_i32, %c0_i32_0 : i32, i32, i32
  }
}

</mosaic_0001>

<sc_bundles>
// kernel: kernel.4.cloned.1.call-start
scs
__scs_entry_jumppad:
0x0: {  	(pc) =	sbr.rel $0x88, $3  }
0x1: {  	(tag) =	ssettag $0x0;
	lr =	simm.s32 $0x1  }
0x2: {  	[smem:$0x3F9F] =	sst lr;
	_ =	strace $0xD0000000  }
0x3: {  	_ = 	snop  }
0x4: {  	_ = 	snop  }
0x5: {  	_ = 	snop  }
0x6: {  	_ = 	snop  }
0x7: {  	_ = 	snop  }
__scs_overlays_trampoline_lowered:
0x8: {  	[smem:$0x3FAE] =	sst s0  }
0x9: {  	[smem:$0x3FAF] =	sst s1  }
0xa: {  	[smem:$0x3FB0] =	sst s2  }
0xb: {  	[smem:$0x3FB1] =	sst s3  }
0xc: {  	[smem:$0x3FB2] =	sst s4  }
0xd: {  	[smem:$0x3FB3] =	sst s5  }
0xe: {  	[smem:$0x3FB4] =	sst s6  }
0xf: {  	[smem:$0x3FB5] =	sst s7  }
0x10: {  	[smem:$0x3FB6] =	sst s8  }
0x11: {  	[smem:$0x3FB7] =	sst s9;
	s0 =	simm.s32 @!p0 $0x0  }
0x12: {  	s1 =	sld [smem:$0x3F9D];
	s0 =	simm.s32 @p0 $0x1  }
0x13: {  	[smem:$0x3FB8] =	sst s0;
	s0 =	simm.s32 @!p1 $0x0  }
0x14: {  	s2 =	sld [smem:$0x3F9C];
	s0 =	simm.s32 @p1 $0x1  }
0x15: {  	[smem:$0x3FB9] =	sst s0;
	s0 =	simm.s32 @!p2 $0x0  }
0x16: {  	s3 =	sld [smem:$0x3FDB];
	s0 =	simm.s32 @p2 $0x1  }
0x17: {  	s4 =	simm.s32 $0x1BF5;
	[smem:$0x3FBB] =	sst s0  }
0x18: {  	s0 =	sld [smem:$0x3F9E];
	_ =	swait.ge [sflag:s4], $0x0  }
0x19: {  	s7 =	sld [smem:$0x3F9F]  }
0x1a: {  	s8 =	sadd.s32 $0xFFFFE003, lr  }
0x1b: {  	s9 =	sadd.s32 $0xFFFFFEF7, lr;
	s5 =	simm.s32 $0xFFFFFFFF;
	p2 =	slt.u32 s8, $0xFFFFF086  }
0x1c: {  	p1 =	slt.u32 s9, $0xF7A;
	s5 =	simm.s32 @!p2 $0x0  }
0x1d: {  	s5 =	simm.s32 @p1 $0x1;
	p0 =	seq.s32 s7, s2  }
0x1e: {  	s7 =	smul.u32 @!p0 $0xF7A, s2;
	p2 =	seq.s32 @!p0 s5, $0x0  }
0x1f: {  	s9 =	smul.u32 $0xF7A, s1;
	s8 =	simm.s32 @!p0 $0x1BF5;
	p2 =	por !p2, p0  }
0x20: {  	[sflag:s8] =	ssyncset.s32 @!p0 $0xFFFFF086;
	s6 =	sadd.s32 @!p0 s3, s7;
	s7 =	simm.s32 @!p0 $0x108  }
0x21: {  	s3 =	sadd.s32 s3, s9;
	s6 =	sadd.s32 @!p0 $0x88, s6;
	s7 =	simm.s32 @p2 $0x1082  }
0x22: {  	[simem:s7], [sflag:s8] =	dma.local @!p0 [hbm:s6], $0xF7A  }
0x23: {  	s9 =	sor.u32 $0xD0000000, s2;
	s6 =	simm.s32 $0x108;
	_ =	swait.ge @!p0 [sflag:s8], $0x0  }
0x24: {  	s3 =	sadd.s32 $0x88, s3;
	s6 =	simm.s32 @!p1 $0x1082;
	[sflag:s4] =	ssyncset.s32 $0xFFFFF086  }
0x25: {  	[simem:s6], [sflag:s4] =	dma.local [hbm:s3], $0xF7A  }
0x26: {  	[smem:$0x3F9F] =	sst s1;
	(tag) =	ssettag s2;
	_ =	strace s9  }
0x27: {  	s1 =	sld [smem:$0x3FAF]  }
0x28: {  	s2 =	sld [smem:$0x3FB0]  }
0x29: {  	s4 =	sld [smem:$0x3FB2]  }
0x2a: {  	p0 =	seq.s32 s5, $0x0;
	s5 =	sld [smem:$0x3FB3]  }
0x2b: {  	s6 =	sld [smem:$0x3FB4]  }
0x2c: {  	s7 =	sld [smem:$0x3FB5]  }
0x2d: {  	s3 =	simm.s32 $0x108;
	s8 =	sld [smem:$0x3FB6]  }
0x2e: {  	s3 =	simm.s32 @!p0 $0x1082;
	s9 =	sld [smem:$0x3FB7]  }
0x2f: {  	lr =	sadd.s32 s0, s3;
	s0 =	sld [smem:$0x3FAE]  }
0x30: {  	s3 =	sld [smem:$0x3FB1]  }
0x31: {  	[smem:$0x3FBA] =	sst s10  }
0x32: {  	s10 =	sld [smem:$0x3FB8];
	_ =	sdelay $0x3  }
0x33: {  	p0 =	seq.s32 s10, $0x1;
	s10 =	sld [smem:$0x3FBA];
	_ =	sdelay $0x3  }
0x34: {  	[smem:$0x3FBA] =	sst s10  }
0x35: {  	s10 =	sld [smem:$0x3FB9];
	_ =	sdelay $0x3  }
0x36: {  	p1 =	seq.s32 s10, $0x1;
	s10 =	sld [smem:$0x3FBA];
	_ =	sdelay $0x3  }
0x37: {  	[smem:$0x3FBA] =	sst s10  }
0x38: {  	s10 =	sld [smem:$0x3FBB]  }
0x39: {  	_ = 	snop;
	(pc) =	sbr.ind lr, $3  }
0x3a: {  	_ = 	snop  }
0x3b: {  	_ = 	snop  }
0x3c: {  	p2 =	seq.s32 s10, $0x1;
	s10 =	sld [smem:$0x3FBA]  }
0x3d: {  	_ =	shalt  }
0x3e: {  	_ =	shalt  }
0x3f: {  	_ =	shalt  }
0x40: {  	_ =	shalt  }
0x41: {  	_ =	shalt  }
0x42: {  	_ =	shalt  }
0x43: {  	_ =	shalt  }
0x44: {  	_ =	shalt  }
0x45: {  	_ =	shalt  }
0x46: {  	_ =	shalt  }
0x47: {  	_ =	shalt  }
0x48: {  	_ =	shalt  }
0x49: {  	_ =	shalt  }
0x4a: {  	_ =	shalt  }
0x4b: {  	_ =	shalt  }
0x4c: {  	_ =	shalt  }
0x4d: {  	_ =	shalt  }
0x4e: {  	_ =	shalt  }
0x4f: {  	_ =	shalt  }
0x50: {  	_ =	shalt  }
0x51: {  	_ =	shalt  }
0x52: {  	_ =	shalt  }
0x53: {  	_ =	shalt  }
0x54: {  	_ =	shalt  }
0x55: {  	_ =	shalt  }
0x56: {  	_ =	shalt  }
0x57: {  	_ =	shalt  }
0x58: {  	_ =	shalt  }
0x59: {  	_ =	shalt  }
0x5a: {  	_ =	shalt  }
0x5b: {  	_ =	shalt  }
0x5c: {  	_ =	shalt  }
0x5d: {  	_ =	shalt  }
0x5e: {  	_ =	shalt  }
0x5f: {  	_ =	shalt  }
0x60: {  	_ =	shalt  }
0x61: {  	_ =	shalt  }
0x62: {  	_ =	shalt  }
0x63: {  	_ =	shalt  }
0x64: {  	_ =	shalt  }
0x65: {  	_ =	shalt  }
0x66: {  	_ =	shalt  }
0x67: {  	_ =	shalt  }
0x68: {  	_ =	shalt  }
0x69: {  	_ =	shalt  }
0x6a: {  	_ =	shalt  }
0x6b: {  	_ =	shalt  }
0x6c: {  	_ =	shalt  }
0x6d: {  	_ =	shalt  }
0x6e: {  	_ =	shalt  }
0x6f: {  	_ =	shalt  }
0x70: {  	_ =	shalt  }
0x71: {  	_ =	shalt  }
0x72: {  	_ =	shalt  }
0x73: {  	_ =	shalt  }
0x74: {  	_ =	shalt  }
0x75: {  	_ =	shalt  }
0x76: {  	_ =	shalt  }
0x77: {  	_ =	shalt  }
0x78: {  	_ =	shalt  }
0x79: {  	_ =	shalt  }
0x7a: {  	_ =	shalt  }
0x7b: {  	_ =	shalt  }
0x7c: {  	_ =	shalt  }
0x7d: {  	_ =	shalt  }
0x7e: {  	_ =	shalt  }
0x7f: {  	_ =	shalt  }
0x80: {  	_ =	shalt  }
0x81: {  	_ =	shalt  }
0x82: {  	_ =	shalt  }
0x83: {  	_ =	shalt  }
0x84: {  	_ =	shalt  }
0x85: {  	_ =	shalt  }
0x86: {  	_ =	shalt  }
0x87: {  	_ =	shalt  }
.Lfunc_end0:
.L_simem_size_0:
called_computation_lowered:
.L_overlay_start_0:
0x88: {  	s2 =	sld [smem:$0x3FD9]  }
0x89: {  	s3 =	sld [smem:$0x3FFE];
	_ =	sdelay $0x1  }
0x8a: {  	s1 =	srdreg.scid  }
0x8b: {  	s0 =	sand.u32 $0x1, s1  }
0x8c: {  	s17 =	sshll.u32 s0, $0xA;
	s2 =	sadd.s32 s3, s2  }
0x8d: {  	s2 =	sadd.s32 s2, s17  }
0x8e: {  	[smem:$0x3FC6] =	sst s2  }
0x8f: {  	_ = 	snop  }
0x90: {  	s2 =	sld [smem:$0x3FC9]  }
0x91: {  	s18 =	sld [smem:$0x3FC8];
	(tm) =	ssettm $0x1  }
0x92: {  	s4 =	sld [smem:$0x3FFB];
	_ =	sdelay $0x3  }
0x93: {  	_ =	strace s4  }
0x94: {  	s4 =	sld [smem:$0x3FFC];
	_ =	sdelay $0x3  }
0x95: {  	_ =	strace s4  }
0x96: {  	s4 =	sld [smem:$0x3FFD];
	_ =	sdelay $0x3  }
0x97: {  	_ =	strace s4  }
0x98: {  	_ =	strace $0x8FFFFFFF  }
0x99: {  	s19 =	sld [smem:$0x3FDB];
	_ =	sdelay $0x1  }
0x9a: {  	s5 =	simm.s32 $_scs_section_size  }
0x9b: {  	s6 =	simm.s32 $_size__tile_overlayer_lowered;
	s7 =	simm.s32 $_tile_overlayer_lowered  }
0x9c: {  	s22 =	simm.s32 $0x1BFF;
	s21 =	sshll.u32 s7, $0x1;
	s4 =	sadd.s32 s5, s19  }
0x9d: {  	s8 =	simm.s32 $0x0;
	s20 =	sshll.u32 s6, $0x1;
	s6 =	sadd.s32 s21, s4  }
0x9e: {  	[timem:s8], [sflag:s22] =	dma.local [hbm:s6], s20  }
0x9f: {  	_ =	swait.ge [sflag:s22], s20  }
0xa0: {  	s5 =	ssub.s32 $0x0, s20;
	[sflag:s22] =	ssyncset.done $0x0  }
0xa1: {  	[sflag:s22] =	ssyncadd.s32 s5;
	_ =	sdelay $0x1  }
0xa2: {  	s23 =	simm.s32 $0x1B8B  }
0xa3: {  	_ =	swait.ge [sflag:s23], $0x1  }
0xa4: {  	[sflag:s23] =	ssyncset.done $0x0  }
0xa5: {  	s25 =	simm.s32 $0x1B8E;
	s24 =	sld [smem:$0x3FFE];
	[sflag:s23] =	ssyncadd.s32 $0xFFFFFFFF  }
0xa6: {  	s26 =	simm.s32 $execute0_lowered;
	[smem:$0x3FD2] =	sst s25  }
0xa7: {  	s6 =	sshll.u32 s26, $0x1;
	_ =	strace $0x80000046;
	[dreg:$0x1] =	wrdreg $0xFFFFFFFF  }
0xa8: {  	s28 =	simm.s32 $_size_execute0_lowered;
	s4 =	sadd.s32 s4, s6;
	[dreg:$0x0] =	wrdreg $0x0  }
0xa9: {  	s6 =	sshll.u32 s28, $0x1;
	[dreg:$0x2] =	wrdreg s4  }
0xaa: {  	[dreg:$0x3] =	wrdreg s6  }
0xab: {  	[dreg:$0x4] =	wrdreg $0xC0  }
0xac: {  	_ =	task [dreg:s8], $0x5FFFF  }
0xad: {  	[dreg:$0x1] =	wrdreg $0xFFFFFFFF  }
0xae: {  	[dreg:$0x0] =	wrdreg $0x60  }
0xaf: {  	[dreg:$0x2] =	wrdreg s2  }
0xb0: {  	[dreg:$0x3] =	wrdreg s18  }
0xb1: {  	[dreg:$0x4] =	wrdreg s24  }
0xb2: {  	[dreg:$0x5] =	wrdreg $0x9  }
0xb3: {  	_ =	task.clear_ibuf [dreg:s8], $0x6FFFF;
	_ =	strace $0x90000046  }
0xb4: {  	s29 =	simm.s32 $0x9;
	_ =	strace $0x80000051  }
0xb5: {  	_ =	swait.ge [sflag:s29], $0x1  }
0xb6: {  	[sflag:s29] =	ssyncadd.s32 $0xFFFFFFFF  }
0xb7: {  	_ =	strace $0x90000051  }
0xb8: {  	_ =	sfence  }
0xb9: {  	s30 =	sld [smem:$0x0];
	_ =	sdelay $0x2  }
0xba: {  	s31 =	sshll.u32 s1, $0xD;
	s1 =	sshrl.u32 s1, $0x2  }
0xbb: {  	s3 =	sand.u32 $0x4000, s31;
	s1 =	sadd.s32 s1, s30  }
0xbc: {  	s0 =	sor.u32 s3, s0;
	s1 =	sshll.u32 s1, $0x11  }
0xbd: {  	s0 =	sor.u32 s1, s0  }
0xbe: {  	s0 =	sadd.s32 $0x8F2B, s0  }
0xbf: {  	[sflag:s0] =	ssyncadd.remote.s32 $0x1  }
0xc0: {  	_ =	sfence.sel $0xFFFF  }
0xc1: {  	[dreg:$0x0] =	wrdreg $0xFFFFFFFF;
	(pc) =	sbr.abs _section_cstart, $3  }
0xc2: {  	[dreg:$0x1] =	wrdreg $0xFFFFFFFF  }
0xc3: {  	_ =	task.clear_ibuf [dreg:s8], $0x2FFFF;
	_ =	strace $0x9FFFFFFF  }
0xc4: {  	(tm) =	ssettm $0x7FFFFFFF  }
0xc5: {  	_ =	shalt  }
tec
execute0_lowered:
.L_overlay_start_1:
0x0: {  	(tag) =	ssettag $0x1  }
0x1: {  	s0 =	srdreg.scid  }
0x2: {  	s0 =	sand.u32 $0x1, s0  }
0x3: {  	s2 =	stileid.u32;
	s1 =	sshll.u32 s0, $0x4  }
0x4: {  	s1 =	sor.u32 s2, s1;
	s2 =	sand.u32 $0x7, s2  }
0x5: {  	p0 =	sne.s32 s2, $0x0;
	p1 =	seq.s32 s1, $0x0  }
0x6: {  	p0 =	por !p0, !p1  }
0x7: {  	s3 =	simm.s32 $0x1;
	p0 =	por !p0, !p0  }
0x8: {  	s1 =	sshrl.u32 s1, $0x3;
	s3 =	simm.s32 @!p0 $0x0  }
0x9: {  	s6 =	ssub.s32 s1, s3  }
0xa: {  	s7 =	rddreg [dreg:$0x2];
	s9 =	simm.s32 $0x0;
	s5 =	smul.u32 $0x90, s6  }
0xb: {  	[smem:$0x7FF] =	sst s9  }
0xc: {  	s0 =	ssub.s32 $0x2, s0;
	s4 =	sshll.u32 s2, $0x2;
	s30 =	sshrl.u32 s5, $0x3  }
0xd: {  	s31 =	sshrl.u32 s0, $0x1;
	s5 =	sor.u32 $0x60, s4;
	s2 =	smul.u32 $0x1800, s30  }
0xe: {  	s0 =	ssub.s32 s0, s31;
	s1 =	rddreg [dreg:$0x0];
	s8 =	smul.u32 $0x6C000, s5  }
0xf: {  	s13 =	simm.s32 $0x6;
	s0 =	smax.u32 s0, $0x1;
	s3 =	rddreg [dreg:$0x1]  }
0x10: {  	_ =	strace $0x80000047;
	s8 =	sadd.s32 s8, s2;
	s2 =	sshrl.u32 s2, $0x3  }
0x11: {  	[dreg:$0x6] =	wrdreg s0;
	s8 =	sshrl.u32 s8, $0x3;
	s2 =	sadd.s32 s3, s2  }
0x12: {  	s14 =	simm.s32 $0x0;
	s8 =	sadd.s32 s1, s8;
	[dreg:$0x5] =	wrdreg s2  }
0x13: {  	s7 =	sadd.s32 $0x400, s7;
	s10 =	smul.u32 $0x9, s6;
	[dreg:$0x4] =	wrdreg s8  }
.LBB2_1:
0x14: {  	_ =	strace $0x80000048;
	s0 =	simm.s32 $0x0;
	s6 =	simm.s32 $0x6000  }
0x15: {  	s24 =	simm.s32 $0x0;
	s15 =	simm.s32 $0x0;
	s16 =	simm.s32 $0x0  }
0x16: {  	s17 =	simm.s32 $0x0;
	s18 =	simm.s32 $0x1;
	s2 =	rddreg [dreg:$0x4]  }
0x17: {  	[tilespmem:s0], [sflag:$0x1] =	stream.linear.gather [hbm4b:s2+s0], $0x3000, $0x200038;
	[tilespmem:$0x12000] =	vst v63  }
0x18: {  	s19 =	simm.s32 $0x0;
	s20 =	simm.s32 $0x1;
	s31 =	rddreg [dreg:$0x5]  }
0x19: {  	[tilespmem:s6], [sflag:$0x3] =	stream.linear.gather [hbm4b:s31+s0], $0x3000, $0x200038;
	[tilespmem:$0x12000] =	vst v63  }
0x1a: {  	s21 =	simm.s32 $0x0;
	s0 =	simm.s32 $0x0;
	_ =	strace $0x90000048  }
.LBB2_2:
0x1b: {  	s22 =	sadd.s32 $0x1, s24  }
0x1c: {  	s2 =	simm.s32 $0x1;
	p0 =	seq.s32 s22, $0x4  }
0x1d: {  	s2 =	simm.s32 @!p0 $0x0  }
0x1e: {  	s23 =	sadd.s32 s2, s0  }
0x1f: {  	p1 =	seq.s32 s23, $0x9  }
0x20: {  	s22 =	simm.s32 @p0 $0x0;
	s23 =	simm.s32 @p1 $0x0  }
0x21: {  	p6 =	sne.s32 s24, s22;
	p0 =	sne.s32 s0, s23  }
0x22: {  	p2 =	sne.s32 s21, $0x23;
	p1 =	por p6, p0  }
0x23: {  	p3 =	por !p2, !p1  }
0x24: {  	s6 =	sadd.s32 s10, s23;
	p3 =	por !p3, !p3  }
0x25: {  	s25 =	sadd.s32 s10, s0;
	s2 =	sadd.s32 @p3 s5, s22;
	s8 =	smul.u32 @p3 $0x3000, s6  }
0x26: {  	s26 =	sand.u32 $0x1, s16;
	s29 =	simm.s32 $0x3040;
	s2 =	smul.u32 @p3 $0x6C000, s2  }
0x27: {  	s12 =	smul.u32 $0xC000, s26;
	p2 =	por !p2, !p0;
	s9 =	sand.u32 @p3 $0x1, s20  }
0x28: {  	p4 =	por !p2, !p2;
	s11 =	smul.u32 @p3 $0xC000, s9;
	s2 =	sadd.s32 @p3 s2, s8  }
0x29: {  	_ =	strace @p3 $0x80000049;
	s9 =	sadd.s32 @p3 $0x1, s9;
	s2 =	sshrl.u32 @p3 s2, $0x3  }
0x2a: {  	s8 =	sshrl.u32 @p3 s11, $0x2;
	s11 =	simm.s32 @p3 $0x0;
	s2 =	sadd.s32 @p3 s1, s2  }
0x2b: {  	[tilespmem:s8], [sflag:s9] =	stream.linear.gather @p3 [hbm4b:s2+s11], $0x3000, $0x200038;
	[tilespmem:$0x12000] =	vst v63  }
0x2c: {  	s30 =	simm.s32 $0x9040;
	s6 =	smul.u32 @p4 $0x600, s6;
	s2 =	sand.u32 @p4 $0x1, s18  }
0x2d: {  	p6 =	sne.s32 s0, $0x8;
	p2 =	seq.s32 s24, $0x0;
	s8 =	smul.u32 @p4 $0xC000, s2  }
0x2e: {  	s6 =	sadd.s32 @p4 s3, s6;
	s9 =	simm.s32 $0x1;
	s11 =	simm.s32 @p4 $0x0  }
0x2f: {  	_ =	strace @p3 $0x90000049;
	s2 =	sadd.s32 @p4 $0x3, s2;
	s8 =	sshrl.u32 @p4 s8, $0x2  }
0x30: {  	s9 =	simm.s32 @!p2 $0x0;
	_ =	strace @p4 $0x8000004A;
	s8 =	sadd.s32 @p4 $0x6000, s8  }
0x31: {  	[tilespmem:s8], [sflag:s2] =	stream.linear.gather @p4 [hbm4b:s6+s11], $0x3000, $0x200038;
	[tilespmem:$0x12000] =	vst v63  }
0x32: {  	s9 =	ssub.s32 s0, s9;
	s2 =	sand.u32 $0x1, s19;
	_ =	strace @p4 $0x9000004A  }
0x33: {  	s0 =	simm.s32 $0x1;
	s11 =	sadd.s32 $0x1, s2;
	_ =	strace $0x8000004B  }
0x34: {  	p5 =	seq.s32 s9, $0xFFFFFFFF;
	s0 =	simm.s32 @!p3 $0x0;
	_ =	swait.ge [sflag:s11], $0x3000  }
0x35: {  	p6 =	por @!p5 p2, p2;
	p2 =	seq.s32 s21, $0x0;
	[sflag:s11] =	ssyncset.done $0x0  }
0x36: {  	s20 =	sadd.s32 s0, s20;
	s0 =	sshrl.u32 s12, $0x2;
	[sflag:s11] =	ssyncadd.s32 $0xFFFFD000  }
0x37: {  	p5 =	por p2, p6;
	s6 =	sand.u32 $0x1, s17;
	_ =	strace $0x9000004B  }
0x38: {  	s28 =	sor.u32 $0xC000, s0;
	s8 =	sadd.s32 @p5 $0x3, s6;
	_ =	strace @p5 $0x8000004C  }
0x39: {  	s31 =	sor.u32 $0xC040, s0;
	s0 =	simm.s32 $0x0;
	_ =	swait.ge @p5 [sflag:s8], $0x3000  }
0x3a: {  	p3 =	seq.s32 s2, $0x1;
	s2 =	simm.s32 $0x0;
	[sflag:s8] =	ssyncset.done @p5 $0x0  }
0x3b: {  	s29 =	simm.s32 @!p3 $0x40;
	[sflag:s8] =	ssyncadd.s32 @p5 $0xFFFFD000;
	s8 =	simm.s32 $0x1  }
0x3c: {  	_ =	strace @p5 $0x9000004C;
	s8 =	simm.s32 @!p4 $0x0;
	p4 =	seq.s32 s6, $0x1  }
0x3d: {  	s18 =	sadd.s32 s8, s18;
	_ =	strace $0x8000004D;
	s30 =	simm.s32 @!p4 $0x6040  }
.LBB2_3:
0x3e: {  	s6 =	sshrl.u32 s0, $0x3  }
0x3f: {  	s8 =	sand.u32 $0x7, s2;
	s6 =	smul.u32 $0x6000, s6  }
0x40: {  	s8 =	sshll.u32 s8, $0x9  }
0x41: {  	s6 =	sor.u32 s8, s6  }
0x42: {  	s8 =	sshra.s32 s6, $0x2  }
0x43: {  	s6 =	sadd.s32 s8, s29  }
0x44: {  	s12 =	sadd.s32 s8, s30;
	v0 =	vld [tilespmem:s6+$0xFFFFFFC0]  }
0x45: {  	v1 =	vld [tilespmem:s12+$0xFFFFFFC0];
	_ =	sdelay $0x4  }
0x46: {  	v0 =	vadd.f32 v1, v0  }
0x47: {  	s8 =	sadd.s32 s8, s31  }
0x48: {  	[tilespmem:s8+$0xFFFFFFC0] =	vst v0  }
0x49: {  	v0 =	vld [tilespmem:s12+$0xFFFFFFD0]  }
0x4a: {  	v1 =	vld [tilespmem:s6+$0xFFFFFFD0];
	_ =	sdelay $0x4  }
0x4b: {  	v0 =	vadd.f32 v0, v1;
	_ =	sdelay $0x1  }
0x4c: {  	[tilespmem:s8+$0xFFFFFFD0] =	vst v0  }
0x4d: {  	v0 =	vld [tilespmem:s6+$0xFFFFFFE0]  }
0x4e: {  	v1 =	vld [tilespmem:s12+$0xFFFFFFE0];
	_ =	sdelay $0x4  }
0x4f: {  	v0 =	vadd.f32 v1, v0;
	_ =	sdelay $0x1  }
0x50: {  	[tilespmem:s8+$0xFFFFFFE0] =	vst v0  }
0x51: {  	v0 =	vld [tilespmem:s6+$0xFFFFFFF0]  }
0x52: {  	v1 =	vld [tilespmem:s12+$0xFFFFFFF0];
	_ =	sdelay $0x4  }
0x53: {  	v0 =	vadd.f32 v1, v0;
	_ =	sdelay $0x1  }
0x54: {  	[tilespmem:s8+$0xFFFFFFF0] =	vst v0  }
0x55: {  	v0 =	vld [tilespmem:s6+$0x0]  }
0x56: {  	v1 =	vld [tilespmem:s12+$0x0];
	_ =	sdelay $0x4  }
0x57: {  	v0 =	vadd.f32 v1, v0;
	_ =	sdelay $0x1  }
0x58: {  	[tilespmem:s8+$0x0] =	vst v0  }
0x59: {  	v0 =	vld [tilespmem:s6+$0x10]  }
0x5a: {  	v1 =	vld [tilespmem:s12+$0x10];
	_ =	sdelay $0x4  }
0x5b: {  	v0 =	vadd.f32 v1, v0;
	_ =	sdelay $0x1  }
0x5c: {  	[tilespmem:s8+$0x10] =	vst v0  }
0x5d: {  	v0 =	vld [tilespmem:s6+$0x20]  }
0x5e: {  	v1 =	vld [tilespmem:s12+$0x20];
	_ =	sdelay $0x4  }
0x5f: {  	v0 =	vadd.f32 v1, v0;
	_ =	sdelay $0x1  }
0x60: {  	[tilespmem:s8+$0x20] =	vst v0  }
0x61: {  	s9 =	simm.s32 $0x0;
	s11 =	sadd.s32 $0x400, s8;
	v0 =	vld [tilespmem:s6+$0x30]  }
.LBB2_4:
0x62: {  	s9 =	sadd.s32 $0x8, s9;
	v1 =	vld [tilespmem:s12+$0x30];
	s6 =	sadd.s32 $0x400, s6;
	s12 =	sadd.s32 $0x400, s12  }
0x63: {  	p3 =	slt.u32 s9, $0x28;
	_ =	sdelay $0x3  }
0x64: {  	v0 =	vadd.f32 v1, v0;
	_ =	sdelay $0x1  }
0x65: {  	[tilespmem:s8+$0x30] =	vst v0;
	s8 =	smov.u32 s11  }
0x66: {  	v0 =	vld [tilespmem:s6+$0xFFFFFFC0]  }
0x67: {  	v1 =	vld [tilespmem:s12+$0xFFFFFFC0];
	_ =	sdelay $0x4  }
0x68: {  	v0 =	vadd.f32 v1, v0;
	_ =	sdelay $0x1  }
0x69: {  	[tilespmem:s11+$0xFFFFFFC0] =	vst v0  }
0x6a: {  	v0 =	vld [tilespmem:s12+$0xFFFFFFD0]  }
0x6b: {  	v1 =	vld [tilespmem:s6+$0xFFFFFFD0];
	_ =	sdelay $0x4  }
0x6c: {  	v0 =	vadd.f32 v0, v1;
	_ =	sdelay $0x1  }
0x6d: {  	[tilespmem:s11+$0xFFFFFFD0] =	vst v0  }
0x6e: {  	v0 =	vld [tilespmem:s6+$0xFFFFFFE0]  }
0x6f: {  	v1 =	vld [tilespmem:s12+$0xFFFFFFE0];
	_ =	sdelay $0x4  }
0x70: {  	v0 =	vadd.f32 v1, v0;
	_ =	sdelay $0x1  }
0x71: {  	[tilespmem:s11+$0xFFFFFFE0] =	vst v0  }
0x72: {  	v0 =	vld [tilespmem:s6+$0xFFFFFFF0]  }
0x73: {  	v1 =	vld [tilespmem:s12+$0xFFFFFFF0];
	_ =	sdelay $0x4  }
0x74: {  	v0 =	vadd.f32 v1, v0;
	_ =	sdelay $0x1  }
0x75: {  	[tilespmem:s11+$0xFFFFFFF0] =	vst v0  }
0x76: {  	v0 =	vld [tilespmem:s6+$0x0]  }
0x77: {  	v1 =	vld [tilespmem:s12+$0x0];
	_ =	sdelay $0x4  }
0x78: {  	v0 =	vadd.f32 v1, v0;
	_ =	sdelay $0x1  }
0x79: {  	[tilespmem:s11+$0x0] =	vst v0  }
0x7a: {  	v0 =	vld [tilespmem:s6+$0x10]  }
0x7b: {  	v1 =	vld [tilespmem:s12+$0x10];
	_ =	sdelay $0x4  }
0x7c: {  	v0 =	vadd.f32 v1, v0;
	_ =	sdelay $0x1  }
0x7d: {  	[tilespmem:s11+$0x10] =	vst v0  }
0x7e: {  	v0 =	vld [tilespmem:s6+$0x20]  }
0x7f: {  	v1 =	vld [tilespmem:s12+$0x20];
	_ =	sdelay $0x3  }
.Ltmp0:
0x80: {  	(pc) =	sbr.rel @p3 .LBB2_4-.Ltmp0, $3  }
0x81: {  	v0 =	vadd.f32 v1, v0;
	_ =	sdelay $0x1  }
0x82: {  	[tilespmem:s11+$0x20] =	vst v0  }
0x83: {  	s11 =	sadd.s32 $0x400, s11;
	v0 =	vld [tilespmem:s6+$0x30]  }
0x84: {  	v1 =	vld [tilespmem:s12+$0x30]  }
0x85: {  	s0 =	sadd.s32 $0x1, s0  }
0x86: {  	p3 =	sne.s32 s0, $0x10  }
.Ltmp1:
0x87: {  	_ = 	snop;
	(pc) =	sbr.rel @p3 .LBB2_3-.Ltmp1, $3  }
0x88: {  	_ = 	snop  }
0x89: {  	v0 =	vadd.f32 v1, v0;
	_ =	sdelay $0x1  }
0x8a: {  	s2 =	sadd.s32 $0x1, s2;
	[tilespmem:s8+$0x30] =	vst v0  }
0x8b: {  	p3 =	seq.s32 s21, $0x23  }
0x8c: {  	p1 =	por p3, p1  }
0x8d: {  	s0 =	sadd.s32 @p1 s4, s24;
	s2 =	smul.u32 @p1 $0x3000, s25  }
0x8e: {  	s0 =	smul.u32 @p1 $0x6C000, s0;
	_ =	sdelay $0x1  }
0x8f: {  	_ =	strace $0x9000004D;
	s0 =	sadd.s32 @p1 s0, s2  }
0x90: {  	_ =	strace @p1 $0x8000004E;
	s0 =	sshrl.u32 @p1 s0, $0x3  }
0x91: {  	s6 =	simm.s32 @p1 $0x0;
	s2 =	sadd.s32 @p1 $0x5, s26;
	s0 =	sadd.s32 @p1 s7, s0  }
0x92: {  	[hbm4b:s0+s6] =	stream.linear.scatter @p1 [tilespmem:s28], [sflag:s2], $0x3000, $0x200038;
	[tilespmem:$0x12000] =	vst v63  }
0x93: {  	p0 =	por p3, p0;
	s0 =	sand.u32 @!p2 $0x1, s15;
	s2 =	simm.s32 $0x1  }
0x94: {  	s6 =	simm.s32 $0x1;
	_ =	strace @p1 $0x9000004E;
	s0 =	sadd.s32 @!p2 $0x5, s0  }
0x95: {  	s2 =	simm.s32 @!p1 $0x0;
	p1 =	sne.s32 s21, $0x0;
	s21 =	sadd.s32 $0x1, s21  }
0x96: {  	s6 =	simm.s32 @!p0 $0x0;
	_ =	strace @!p2 $0x8000004F;
	p0 =	sne.s32 s21, $0x24  }
.Ltmp2:
0x97: {  	_ =	swait.ge @!p2 [sflag:s0], $0x3000;
	(pc) =	sbr.rel @p0 .LBB2_2-.Ltmp2, $4  }
0x98: {  	s24 =	smov.u32 s22;
	[sflag:s0] =	ssyncset.done @!p2 $0x0  }
0x99: {  	s16 =	sadd.s32 s2, s16;
	[sflag:s0] =	ssyncadd.s32 @!p2 $0xFFFFD000;
	s0 =	simm.s32 $0x1  }
0x9a: {  	s19 =	sadd.s32 s2, s19;
	s17 =	sadd.s32 s6, s17;
	s0 =	simm.s32 @!p1 $0x0  }
0x9b: {  	_ =	strace @!p2 $0x9000004F;
	s15 =	sadd.s32 s0, s15;
	s0 =	smov.u32 s23  }
0x9c: {  	_ =	strace $0x80000050  }
0x9d: {  	_ =	swait.ge [sflag:s13], $0x3000  }
0x9e: {  	s14 =	sadd.s32 $0x1, s14;
	s0 =	rddreg [dreg:$0x6]  }
0x9f: {  	p0 =	sne.s32 s14, s0  }
.Ltmp3:
0xa0: {  	_ = 	snop;
	(pc) =	sbr.rel @p0 .LBB2_1-.Ltmp3, $4  }
0xa1: {  	_ = 	snop  }
0xa2: {  	[sflag:s13] =	ssyncset.done $0x0  }
0xa3: {  	[sflag:s13] =	ssyncadd.s32 $0xFFFFD000  }
0xa4: {  	_ =	strace $0x90000050  }
0xa5: {  	_ =	sfence.sel $0x180000  }
0xa6: {  	[bflag:$0x0] =	sbarrier.arrive $0xFFFF  }
0xa7: {  	_ =	strace $0x90000047  }
0xa8: {  	s0 =	stileid.u32;
	[bflag:$0x2] =	sbarrier.arrive $0xFFFF  }
0xa9: {  	p0 =	sne.s32 s0, $0x0;
	s0 =	rddreg [dreg:$0x3]  }
0xaa: {  	s0 =	sadd.s32 @!p0 $0x100000, s0  }
0xab: {  	[sflag:s0] =	ssyncadd.tile.s32 @!p0 $0x1;
	_ =	shalt  }
.Lfunc_end2:
_tile_overlayer_lowered:
.L_overlay_start_2:
0xac: {  	(tag) =	ssettag $0x2  }
0xad: {  	s0 =	rddreg [dreg:$0x0];
	s2 =	stileid.u32  }
0xae: {  	s1 =	rddreg [dreg:$0x1];
	p0 =	sne.s32 s2, $0x0  }
0xaf: {  	s3 =	rddreg [dreg:$0x2];
	[bflag:$0x3] =	sbarrier.arrive $0xFFFF;
	s2 =	simm.s32 @!p0 $0x1C01  }
0xb0: {  	[timem:s3], [sflag:s2] =	dma.local @!p0 [hbm:s0], s1  }
0xb1: {  	s0 =	simm.s32 @!p0 $0x1  }
0xb2: {  	_ =	swait.ge @!p0 [sflag:s0], s1  }
0xb3: {  	s1 =	ssub.s32 @!p0 $0x0, s1;
	[sflag:s0] =	ssyncset.done @!p0 $0x0  }
0xb4: {  	[sflag:s0] =	ssyncadd.s32 @!p0 s1  }
0xb5: {  	[bflag:$0x3] =	sbarrier.arrive $0xFFFF  }
0xb6: {  	_ =	shalt  }

</sc_bundles>
